<compile_context>
chip_gen: v7x
topology: tpu7x:2x2x1
jax: 0.10.2.dev20260603
libtpu: 0.0.44.dev20260713+nightly
codegen_flags: <defaults>
</compile_context>

<pallas_src>
import functools

import numpy as np
import jax
import jax.numpy as jnp
from jax import lax
from jax.experimental import pallas as pl
from jax.experimental.pallas import tpu as pltpu
from jax.experimental.pallas import tpu_sc as plsc

N_ANC = 80
ROUNDS = 20
NROUT = ROUNDS - 2
NPAIR = N_ANC * (N_ANC - 1) // 2
ROW = N_ANC + NPAIR
LANES = 16
NCHUNK = (NPAIR + LANES - 1) // LANES
NPAD = NCHUNK * LANES
BATCH = 256
NW = 32
BPW = BATCH // NW


def _aux_arrays():
    out = np.zeros((1, NPAD), np.int32)
    p = 0
    for a in range(N_ANC):
        for b in range(a + 1, N_ANC):
            out[0, p] = a * 128 + b
            p += 1
    return out


_AUX = _aux_arrays()


@functools.cache
def _build_sc_forward():
    mesh = plsc.VectorSubcoreMesh(core_axis_name="c", subcore_axis_name="s")

    @functools.partial(
        pl.kernel,
        out_type=jax.ShapeDtypeStruct((BATCH, NROUT * ROW), jnp.float32),
        mesh=mesh,
        compiler_params=pltpu.CompilerParams(needs_layout_passes=False),
        scratch_types=[
            pltpu.VMEM((ROUNDS * N_ANC,), jnp.int32),
            pltpu.VMEM((1, NPAD), jnp.int32),
            pltpu.VMEM((4, NPAD), jnp.float32),
            pltpu.VMEM((N_ANC,), jnp.float32),
            pltpu.VMEM((NPAD * 9,), jnp.float32),
            pltpu.VMEM((N_ANC * 3,), jnp.float32),
            pltpu.VMEM((NROUT * N_ANC,), jnp.int32),
            pltpu.VMEM((NROUT * N_ANC,), jnp.int32),
            pltpu.VMEM((NROUT * ROW,), jnp.float32),
        ],
    )
    def _sc_forward(inp_hbm, pnd_hbm, pd_hbm, aux_hbm, out_hbm,
                    inp_v, aux_v, pnd_v, pd_v, lut_v, lutd_v, s3_v, s1_v,
                    outb_v):
        wid = lax.axis_index("s") * 2 + lax.axis_index("c")
        iota = lax.iota(jnp.int32, LANES)
        zeros = jnp.zeros((LANES,), jnp.float32)
        ones = jnp.ones((LANES,), jnp.float32)

        pltpu.sync_copy(aux_hbm, aux_v)
        pltpu.sync_copy(pnd_hbm, pnd_v)
        pltpu.sync_copy(pd_hbm, pd_v)

        def lut_body(c, _):
            o = LANES * c
            p0 = pnd_v[0, pl.ds(o, LANES)]
            p1 = pnd_v[1, pl.ds(o, LANES)]
            p2 = pnd_v[2, pl.ds(o, LANES)]
            p3 = pnd_v[3, pl.ds(o, LANES)]
            f12 = 1.0 / (1.0 + jnp.exp(-p0))
            f9 = f12 / (1.0 + jnp.exp(-p1))
            f8 = f9 / (1.0 + jnp.exp(-p2))
            f6 = f8 / (1.0 + jnp.exp(-p3))
            base = (o + iota) * 9
            for ci, v in enumerate((zeros, f6, f8, f6, f9, f12, f8, f12, ones)):
                plsc.store_scatter(lut_v, [base + ci], v)
            return 0

        lax.fori_loop(0, NCHUNK, lut_body, 0)

        for c in range(N_ANC // LANES):
            o = LANES * c
            sg = 1.0 / (1.0 + jnp.exp(-pd_v[pl.ds(o, LANES)]))
            base = (o + iota) * 3
            plsc.store_scatter(lutd_v, [base], zeros)
            plsc.store_scatter(lutd_v, [base + 1], sg)
            plsc.store_scatter(lutd_v, [base + 2], ones)

        def batch_body(b, _):
            n = wid * BPW + b
            pltpu.sync_copy(inp_hbm.at[n], inp_v)

            init = (tuple(jnp.full((LANES,), -1, jnp.int32) for _ in range(5))
                    + tuple(jnp.full((LANES,), 1, jnp.int32) for _ in range(5)))

            def recur_step(rr, sb, rowb, st, dl):
                for c in range(N_ANC // LANES):
                    o = LANES * c
                    x0 = inp_v[pl.ds(rr * N_ANC + o, LANES)]
                    x1 = inp_v[pl.ds((rr + 1) * N_ANC + o, LANES)]
                    x2 = inp_v[pl.ds((rr + 2) * N_ANC + o, LANES)]
                    de = x0 + x2 - 2 * x0 * x2
                    me = x1 * (1 - (x0 + x2)) + x0 * x2
                    d2 = dl[c] * (1 - 2 * me)
                    s2 = jnp.clip(st[c] + d2 * de, -1, 1)
                    nm = 1 - me
                    st[c] = s2
                    dl[c] = d2 * (1 - s2 * s2 * nm) - s2 * nm
                    s1 = s2 + 1
                    s1_v[pl.ds(sb + o, LANES)] = s1
                    s3_v[pl.ds(sb + o, LANES)] = s1 * 3
                    dv = plsc.load_gather(lutd_v, [(o + iota) * 3 + s1])
                    outb_v[pl.ds(rowb + o, LANES)] = dv

            def round_body(t, carry):
                st = list(carry[:5])
                dl = list(carry[5:])
                rr0 = 2 * t
                sb0 = rr0 * N_ANC
                rowb0 = rr0 * ROW
                recur_step(rr0, sb0, rowb0, st, dl)
                recur_step(rr0 + 1, sb0 + N_ANC, rowb0 + ROW, st, dl)

                nd_base = rowb0 + N_ANC

                def pair_chunk(o):
                    pij = aux_v[0, pl.ds(o, LANES)]
                    pi = (pij >> 7) + sb0
                    pj = (pij & 127) + sb0
                    lbase = (o + iota) * 9
                    a3 = plsc.load_gather(s3_v, [pi])
                    b1 = plsc.load_gather(s1_v, [pj])
                    v = plsc.load_gather(lut_v, [lbase + a3 + b1])
                    outb_v[pl.ds(nd_base + o, LANES)] = v
                    a3b = plsc.load_gather(s3_v, [pi + N_ANC])
                    b1b = plsc.load_gather(s1_v, [pj + N_ANC])
                    vb = plsc.load_gather(lut_v, [lbase + a3b + b1b])
                    outb_v[pl.ds(nd_base + ROW + o, LANES)] = vb

                plsc.parallel_loop(0, NPAIR - LANES // 2, LANES, unroll=8)(
                    pair_chunk)
                pair_chunk(NPAIR - LANES)
                return tuple(st) + tuple(dl)

            lax.fori_loop(0, NROUT // 2, round_body, init)
            pltpu.sync_copy(outb_v, out_hbm.at[n])
            return 0

        lax.fori_loop(0, BPW, batch_body, 0)

    return _sc_forward


def kernel(input, embedding_params_diag, embedding_params_nondiag):
    inp = input.reshape(BATCH, ROUNDS * N_ANC)
    pd = embedding_params_diag.reshape(N_ANC)
    pnd = embedding_params_nondiag.reshape(NPAIR, 4).T
    pnd = jnp.concatenate(
        [pnd, jnp.zeros((4, NPAD - NPAIR), jnp.float32)], axis=1)
    out = _build_sc_forward()(inp, pnd, pd, jnp.asarray(_AUX))
    return out.reshape(BATCH, NROUT, ROW)

# --- scband reference (transcript-rebuilt; emitter-appended) ---
"""Pipeline reference for scband-cnnembedder-2843268350681 (READ-ONLY COPY).

The authoritative reference and input builder live on the scoring server;
editing this copy changes nothing except your own understanding.
"""

import jax, jax.numpy as jnp
import numpy as np

DISTANCE = 9
ROUNDS = 20
NPOL = 2
BATCH = 256
N_ANC = DISTANCE ** 2 - 1
NDIM = N_ANC * (N_ANC + 1) // 2


def _polmap():
    diag = []
    nondiag = []
    for iy in range(N_ANC):
        for ix in range(iy, N_ANC):
            if ix != iy:
                nondiag.append(ix + iy * N_ANC)
            else:
                diag.append(ix + iy * N_ANC)
    return np.array(diag + nondiag, dtype=np.int32)


POLMAP = _polmap()


def setup_inputs(seed: int = 0) -> dict:
    key = jax.random.key(seed)
    k1, k2, k3 = jax.random.split(key, 3)
    inp = jax.random.randint(k1, (BATCH, ROUNDS, N_ANC), 0, 2, dtype=jnp.int32)
    pd = jax.random.normal(k2, (1, N_ANC), dtype=jnp.float32) * 0.1
    pnd = jax.random.normal(k3, (1, NDIM - N_ANC, 4), dtype=jnp.float32) * 0.1
    return {"input": inp, "embedding_params_diag": pd, "embedding_params_nondiag": pnd}


def _forward(inp, pd, pnd):
    n = inp.shape[0]
    polmap = jnp.asarray(POLMAP)
    # transformed embedding params
    emb_diag = jnp.repeat(jax.nn.sigmoid(pd), n, axis=0)  # (n, N_ANC)
    f12 = jax.nn.sigmoid(pnd[:, :, 0])
    f9 = jax.nn.sigmoid(pnd[:, :, 1]) * f12
    f8 = jax.nn.sigmoid(pnd[:, :, 2]) * f9
    f6 = jax.nn.sigmoid(pnd[:, :, 3]) * f8
    emb_nondiag = jnp.repeat(jnp.stack([f12, f9, f8, f6], axis=2), n, axis=0)  # (n, NDIM-N_ANC, 4)
    # reset tracker states
    state = -jnp.ones((n, N_ANC), dtype=jnp.int32)
    delta = jnp.ones((n, N_ANC), dtype=jnp.int32)
    outs = []
    for rr in range(ROUNDS - 2):
        x = inp[:, rr:rr + 3, :]
        x0, x1, x2 = x[:, 0, :], x[:, 1, :], x[:, 2, :]
        data_err = x0 + x2 - x0 * x2 * 2
        measure_err = x1 * (1 - (x0 + x2)) + x0 * x2
        delta = delta * (1 - measure_err * 2)
        state = jnp.clip(state + delta * data_err, -1, 1)
        delta = delta * (1 - state * state * (1 - measure_err)) - state * (1 - measure_err)
        # transform raw state (npol > 1 path)
        xx = state + 3
        res = (xx[:, :, None] * xx[:, None, :]).reshape(n, -1)
        res = jnp.take(res, polmap, axis=1)
        res_diag = res[:, :N_ANC]
        res_nondiag = res[:, N_ANC:]
        d = jnp.stack([res_diag == 16, res_diag == 9], axis=2).astype(jnp.float32)
        ndg = jnp.stack([res_nondiag == 16, res_nondiag == 12, res_nondiag == 9,
                         res_nondiag == 8, res_nondiag == 6], axis=2).astype(jnp.float32)
        rdv = d[:, :, 0] + d[:, :, 1] * emb_diag
        rndv = ndg[:, :, 0] + jnp.sum(ndg[:, :, 1:5] * emb_nondiag, axis=2)
        outs.append(jnp.concatenate([rdv, rndv], axis=1))
    return jnp.stack(outs, axis=1)


def reference(input, embedding_params_diag, embedding_params_nondiag):
    return _forward(input, embedding_params_diag, embedding_params_nondiag)

if __name__ == "__main__":
    import jax
    _d = setup_inputs()
    print(jax.jit(kernel)(*tuple(_d.values())))

</pallas_src>

<mosaic_0001>
#map = affine_map<(d0, d1) -> (0, 0)>
#map1 = affine_map<(d0, d1) -> (0)>
module attributes {stable_mosaic.version = 14 : i64} {
  func.func @_sc_forward(%arg0: i32, %arg1: i32, %arg2: memref<256x1600xi32, #tpu.memory_space<hbm>>, %arg3: memref<4x3168xf32, #tpu.memory_space<hbm>>, %arg4: memref<80xf32, #tpu.memory_space<hbm>>, %arg5: memref<1x3168xi32, #tpu.memory_space<hbm>>, %arg6: memref<256x58320xf32, #tpu.memory_space<hbm>>, %arg7: memref<1600xi32, #tpu.memory_space<vmem>>, %arg8: memref<1x3168xi32, #tpu.memory_space<vmem>>, %arg9: memref<4x3168xf32, #tpu.memory_space<vmem>>, %arg10: memref<80xf32, #tpu.memory_space<vmem>>, %arg11: memref<28512xf32, #tpu.memory_space<vmem>>, %arg12: memref<240xf32, #tpu.memory_space<vmem>>, %arg13: memref<1440xi32, #tpu.memory_space<vmem>>, %arg14: memref<1440xi32, #tpu.memory_space<vmem>>, %arg15: memref<58320xf32, #tpu.memory_space<vmem>>) attributes {dimension_semantics = [#tpu.dimension_semantics<core_parallel>, #tpu.dimension_semantics<subcore_parallel>], iteration_bounds = array<i64: 2, 16>, scalar_prefetch = 0 : i64, scratch_operands = 9 : i64, tpu.core_type = #tpu.core_type<sc_vector_subcore>, window_params = [{transform_indices = #map}, {transform_indices = #map}, {transform_indices = #map1}, {transform_indices = #map}, {transform_indices = #map}]} {
    %mul3A = arith.constant 2 : i32
    %mul3A_0 = arith.muli %arg1, %mul3A : i32
    %add3A = arith.addi %mul3A_0, %arg0 : i32
    %iota3A = tpu.iota {dimensions = array<i32: 0>} : vector<16xi32>
    %broadcast_in_dim3A = arith.constant 0.000000e+00 : f32
    %broadcast_in_dim3A_1 = vector.broadcast %broadcast_in_dim3A : f32 to vector<16xf32>
    %broadcast_in_dim3A_2 = arith.constant 1.000000e+00 : f32
    %broadcast_in_dim3A_3 = vector.broadcast %broadcast_in_dim3A_2 : f32 to vector<16xf32>
    "tpu.region"() ({
      %run_scoped3A = tpu.sem_alloc : memref<!tpu.dma_semaphore, #tpu.memory_space<semaphore_mem>>
      tpu.enqueue_dma source(%arg5 : memref<1x3168xi32, #tpu.memory_space<hbm>>) target(%arg8 : memref<1x3168xi32, #tpu.memory_space<vmem>>) target_semaphore(%run_scoped3A : memref<!tpu.dma_semaphore, #tpu.memory_space<semaphore_mem>>)
      tpu.wait_dma2 semaphore(%run_scoped3A : memref<!tpu.dma_semaphore, #tpu.memory_space<semaphore_mem>>) src(%arg5 : memref<1x3168xi32, #tpu.memory_space<hbm>>) dst(%arg8 : memref<1x3168xi32, #tpu.memory_space<vmem>>)
      tpu.yield
    }) : () -> ()
    "tpu.region"() ({
      %run_scoped3A = tpu.sem_alloc : memref<!tpu.dma_semaphore, #tpu.memory_space<semaphore_mem>>
      tpu.enqueue_dma source(%arg3 : memref<4x3168xf32, #tpu.memory_space<hbm>>) target(%arg9 : memref<4x3168xf32, #tpu.memory_space<vmem>>) target_semaphore(%run_scoped3A : memref<!tpu.dma_semaphore, #tpu.memory_space<semaphore_mem>>)
      tpu.wait_dma2 semaphore(%run_scoped3A : memref<!tpu.dma_semaphore, #tpu.memory_space<semaphore_mem>>) src(%arg3 : memref<4x3168xf32, #tpu.memory_space<hbm>>) dst(%arg9 : memref<4x3168xf32, #tpu.memory_space<vmem>>)
      tpu.yield
    }) : () -> ()
    "tpu.region"() ({
      %run_scoped3A = tpu.sem_alloc : memref<!tpu.dma_semaphore, #tpu.memory_space<semaphore_mem>>
      tpu.enqueue_dma source(%arg4 : memref<80xf32, #tpu.memory_space<hbm>>) target(%arg10 : memref<80xf32, #tpu.memory_space<vmem>>) target_semaphore(%run_scoped3A : memref<!tpu.dma_semaphore, #tpu.memory_space<semaphore_mem>>)
      tpu.wait_dma2 semaphore(%run_scoped3A : memref<!tpu.dma_semaphore, #tpu.memory_space<semaphore_mem>>) src(%arg4 : memref<80xf32, #tpu.memory_space<hbm>>) dst(%arg10 : memref<80xf32, #tpu.memory_space<vmem>>)
      tpu.yield
    }) : () -> ()
    %scan3A = arith.constant 0 : i32
    %scan3A_4 = arith.constant 0 : i32
    %scan3A_5 = arith.constant 198 : i32
    %scan3A_6 = arith.addi %scan3A_4, %scan3A_5 : i32
    %scan3A_7 = arith.constant 1 : i32
    %scan3A_8 = scf.for %scan3A_133 = %scan3A_4 to %scan3A_6 step %scan3A_7 iter_args(%scan3A_134 = %scan3A) -> (i32)  : i32 {
      %mul3A_135 = arith.constant 16 : i32
      %mul3A_136 = arith.muli %mul3A_135, %scan3A_133 : i32
      %get3A_137 = arith.constant 0 : i32
      %get3A_138 = arith.index_cast %get3A_137 : i32 to index
      %get3A_139 = arith.index_cast %mul3A_136 : i32 to index
      %get3A_140 = tpu.vector_load %arg9[%get3A_138, %get3A_139] {strides = array<i32>} : memref<4x3168xf32, #tpu.memory_space<vmem>>, vector<16xf32>,
      %get3A_141 = arith.constant 1 : i32
      %get3A_142 = arith.index_cast %get3A_141 : i32 to index
      %get3A_143 = arith.index_cast %mul3A_136 : i32 to index
      %get3A_144 = tpu.vector_load %arg9[%get3A_142, %get3A_143] {strides = array<i32>} : memref<4x3168xf32, #tpu.memory_space<vmem>>, vector<16xf32>,
      %get3A_145 = arith.constant 2 : i32
      %get3A_146 = arith.index_cast %get3A_145 : i32 to index
      %get3A_147 = arith.index_cast %mul3A_136 : i32 to index
      %get3A_148 = tpu.vector_load %arg9[%get3A_146, %get3A_147] {strides = array<i32>} : memref<4x3168xf32, #tpu.memory_space<vmem>>, vector<16xf32>,
      %get3A_149 = arith.constant 3 : i32
      %get3A_150 = arith.index_cast %get3A_149 : i32 to index
      %get3A_151 = arith.index_cast %mul3A_136 : i32 to index
      %get3A_152 = tpu.vector_load %arg9[%get3A_150, %get3A_151] {strides = array<i32>} : memref<4x3168xf32, #tpu.memory_space<vmem>>, vector<16xf32>,
      %neg3A_153 = arith.constant 0.000000e+00 : f32
      %neg3A_154 = vector.broadcast %neg3A_153 : f32 to vector<16xf32>
      %neg3A_155 = arith.subf %neg3A_154, %get3A_140 : vector<16xf32>
      %exp3A_156 = math.exp %neg3A_155 : vector<16xf32>
      %add3A_157 = arith.constant 1.000000e+00 : f32
      %add3A_158 = vector.broadcast %add3A_157 : f32 to vector<16xf32>
      %add3A_159 = arith.addf %add3A_158, %exp3A_156 : vector<16xf32>
      %div3A_160 = arith.constant 1.000000e+00 : f32
      %div3A_161 = vector.broadcast %div3A_160 : f32 to vector<16xf32>
      %div3A_162 = arith.divf %div3A_161, %add3A_159 : vector<16xf32>
      %neg3A_163 = arith.constant 0.000000e+00 : f32
      %neg3A_164 = vector.broadcast %neg3A_163 : f32 to vector<16xf32>
      %neg3A_165 = arith.subf %neg3A_164, %get3A_144 : vector<16xf32>
      %exp3A_166 = math.exp %neg3A_165 : vector<16xf32>
      %add3A_167 = arith.constant 1.000000e+00 : f32
      %add3A_168 = vector.broadcast %add3A_167 : f32 to vector<16xf32>
      %add3A_169 = arith.addf %add3A_168, %exp3A_166 : vector<16xf32>
      %div3A_170 = arith.divf %div3A_162, %add3A_169 : vector<16xf32>
      %neg3A_171 = arith.constant 0.000000e+00 : f32
      %neg3A_172 = vector.broadcast %neg3A_171 : f32 to vector<16xf32>
      %neg3A_173 = arith.subf %neg3A_172, %get3A_148 : vector<16xf32>
      %exp3A_174 = math.exp %neg3A_173 : vector<16xf32>
      %add3A_175 = arith.constant 1.000000e+00 : f32
      %add3A_176 = vector.broadcast %add3A_175 : f32 to vector<16xf32>
      %add3A_177 = arith.addf %add3A_176, %exp3A_174 : vector<16xf32>
      %div3A_178 = arith.divf %div3A_170, %add3A_177 : vector<16xf32>
      %neg3A_179 = arith.constant 0.000000e+00 : f32
      %neg3A_180 = vector.broadcast %neg3A_179 : f32 to vector<16xf32>
      %neg3A_181 = arith.subf %neg3A_180, %get3A_152 : vector<16xf32>
      %exp3A_182 = math.exp %neg3A_181 : vector<16xf32>
      %add3A_183 = arith.constant 1.000000e+00 : f32
      %add3A_184 = vector.broadcast %add3A_183 : f32 to vector<16xf32>
      %add3A_185 = arith.addf %add3A_184, %exp3A_182 : vector<16xf32>
      %div3A_186 = arith.divf %div3A_178, %add3A_185 : vector<16xf32>
      %add3A_187 = vector.broadcast %mul3A_136 : i32 to vector<16xi32>
      %add3A_188 = arith.addi %add3A_187, %iota3A : vector<16xi32>
      %mul3A_189 = arith.constant 9 : i32
      %mul3A_190 = vector.broadcast %mul3A_189 : i32 to vector<16xi32>
      %mul3A_191 = arith.muli %add3A_188, %mul3A_190 : vector<16xi32>
      %add3A_192 = arith.constant 0 : i32
      %add3A_193 = vector.broadcast %add3A_192 : i32 to vector<16xi32>
      %add3A_194 = arith.addi %mul3A_191, %add3A_193 : vector<16xi32>
      tpu.vector_store_idx %arg11[%add3A_194], %broadcast_in_dim3A_1 : memref<28512xf32, #tpu.memory_space<vmem>>[vector<16xi32>], vector<16xf32>,
      %add3A_195 = arith.constant 1 : i32
      %add3A_196 = vector.broadcast %add3A_195 : i32 to vector<16xi32>
      %add3A_197 = arith.addi %mul3A_191, %add3A_196 : vector<16xi32>
      tpu.vector_store_idx %arg11[%add3A_197], %div3A_186 : memref<28512xf32, #tpu.memory_space<vmem>>[vector<16xi32>], vector<16xf32>,
      %add3A_198 = arith.constant 2 : i32
      %add3A_199 = vector.broadcast %add3A_198 : i32 to vector<16xi32>
      %add3A_200 = arith.addi %mul3A_191, %add3A_199 : vector<16xi32>
      tpu.vector_store_idx %arg11[%add3A_200], %div3A_178 : memref<28512xf32, #tpu.memory_space<vmem>>[vector<16xi32>], vector<16xf32>,
      %add3A_201 = arith.constant 3 : i32
      %add3A_202 = vector.broadcast %add3A_201 : i32 to vector<16xi32>
      %add3A_203 = arith.addi %mul3A_191, %add3A_202 : vector<16xi32>
      tpu.vector_store_idx %arg11[%add3A_203], %div3A_186 : memref<28512xf32, #tpu.memory_space<vmem>>[vector<16xi32>], vector<16xf32>,
      %add3A_204 = arith.constant 4 : i32
      %add3A_205 = vector.broadcast %add3A_204 : i32 to vector<16xi32>
      %add3A_206 = arith.addi %mul3A_191, %add3A_205 : vector<16xi32>
      tpu.vector_store_idx %arg11[%add3A_206], %div3A_170 : memref<28512xf32, #tpu.memory_space<vmem>>[vector<16xi32>], vector<16xf32>,
      %add3A_207 = arith.constant 5 : i32
      %add3A_208 = vector.broadcast %add3A_207 : i32 to vector<16xi32>
      %add3A_209 = arith.addi %mul3A_191, %add3A_208 : vector<16xi32>
      tpu.vector_store_idx %arg11[%add3A_209], %div3A_162 : memref<28512xf32, #tpu.memory_space<vmem>>[vector<16xi32>], vector<16xf32>,
      %add3A_210 = arith.constant 6 : i32
      %add3A_211 = vector.broadcast %add3A_210 : i32 to vector<16xi32>
      %add3A_212 = arith.addi %mul3A_191, %add3A_211 : vector<16xi32>
      tpu.vector_store_idx %arg11[%add3A_212], %div3A_178 : memref<28512xf32, #tpu.memory_space<vmem>>[vector<16xi32>], vector<16xf32>,
      %add3A_213 = arith.constant 7 : i32
      %add3A_214 = vector.broadcast %add3A_213 : i32 to vector<16xi32>
      %add3A_215 = arith.addi %mul3A_191, %add3A_214 : vector<16xi32>
      tpu.vector_store_idx %arg11[%add3A_215], %div3A_162 : memref<28512xf32, #tpu.memory_space<vmem>>[vector<16xi32>], vector<16xf32>,
      %add3A_216 = arith.constant 8 : i32
      %add3A_217 = vector.broadcast %add3A_216 : i32 to vector<16xi32>
      %add3A_218 = arith.addi %mul3A_191, %add3A_217 : vector<16xi32>
      tpu.vector_store_idx %arg11[%add3A_218], %broadcast_in_dim3A_3 : memref<28512xf32, #tpu.memory_space<vmem>>[vector<16xi32>], vector<16xf32>,
      %scan3A_219 = arith.constant 0 : i32
      scf.yield %scan3A_219 : i32
    }
    %scan3A_9 = arith.constant 198 : i32
    %get3A = arith.constant 0 : index
    %get3A_10 = tpu.vector_load %arg10[%get3A] {strides = array<i32>} : memref<80xf32, #tpu.memory_space<vmem>>, vector<16xf32>,
    %neg3A = arith.constant 0.000000e+00 : f32
    %neg3A_11 = vector.broadcast %neg3A : f32 to vector<16xf32>
    %neg3A_12 = arith.subf %neg3A_11, %get3A_10 : vector<16xf32>
    %exp3A = math.exp %neg3A_12 : vector<16xf32>
    %add3A_13 = arith.constant 1.000000e+00 : f32
    %add3A_14 = vector.broadcast %add3A_13 : f32 to vector<16xf32>
    %add3A_15 = arith.addf %add3A_14, %exp3A : vector<16xf32>
    %div3A = arith.constant 1.000000e+00 : f32
    %div3A_16 = vector.broadcast %div3A : f32 to vector<16xf32>
    %div3A_17 = arith.divf %div3A_16, %add3A_15 : vector<16xf32>
    %add3A_18 = arith.constant 0 : i32
    %add3A_19 = vector.broadcast %add3A_18 : i32 to vector<16xi32>
    %add3A_20 = arith.addi %add3A_19, %iota3A : vector<16xi32>
    %mul3A_21 = arith.constant 3 : i32
    %mul3A_22 = vector.broadcast %mul3A_21 : i32 to vector<16xi32>
    %mul3A_23 = arith.muli %add3A_20, %mul3A_22 : vector<16xi32>
    tpu.vector_store_idx %arg12[%mul3A_23], %broadcast_in_dim3A_1 : memref<240xf32, #tpu.memory_space<vmem>>[vector<16xi32>], vector<16xf32>,
    %add3A_24 = arith.constant 1 : i32
    %add3A_25 = vector.broadcast %add3A_24 : i32 to vector<16xi32>
    %add3A_26 = arith.addi %mul3A_23, %add3A_25 : vector<16xi32>
    tpu.vector_store_idx %arg12[%add3A_26], %div3A_17 : memref<240xf32, #tpu.memory_space<vmem>>[vector<16xi32>], vector<16xf32>,
    %add3A_27 = arith.constant 2 : i32
    %add3A_28 = vector.broadcast %add3A_27 : i32 to vector<16xi32>
    %add3A_29 = arith.addi %mul3A_23, %add3A_28 : vector<16xi32>
    tpu.vector_store_idx %arg12[%add3A_29], %broadcast_in_dim3A_3 : memref<240xf32, #tpu.memory_space<vmem>>[vector<16xi32>], vector<16xf32>,
    %get3A_30 = arith.constant 16 : index
    %get3A_31 = tpu.vector_load %arg10[%get3A_30] {strides = array<i32>} : memref<80xf32, #tpu.memory_space<vmem>>, vector<16xf32>,
    %neg3A_32 = arith.constant 0.000000e+00 : f32
    %neg3A_33 = vector.broadcast %neg3A_32 : f32 to vector<16xf32>
    %neg3A_34 = arith.subf %neg3A_33, %get3A_31 : vector<16xf32>
    %exp3A_35 = math.exp %neg3A_34 : vector<16xf32>
    %add3A_36 = arith.constant 1.000000e+00 : f32
    %add3A_37 = vector.broadcast %add3A_36 : f32 to vector<16xf32>
    %add3A_38 = arith.addf %add3A_37, %exp3A_35 : vector<16xf32>
    %div3A_39 = arith.constant 1.000000e+00 : f32
    %div3A_40 = vector.broadcast %div3A_39 : f32 to vector<16xf32>
    %div3A_41 = arith.divf %div3A_40, %add3A_38 : vector<16xf32>
    %add3A_42 = arith.constant 16 : i32
    %add3A_43 = vector.broadcast %add3A_42 : i32 to vector<16xi32>
    %add3A_44 = arith.addi %add3A_43, %iota3A : vector<16xi32>
    %mul3A_45 = arith.constant 3 : i32
    %mul3A_46 = vector.broadcast %mul3A_45 : i32 to vector<16xi32>
    %mul3A_47 = arith.muli %add3A_44, %mul3A_46 : vector<16xi32>
    tpu.vector_store_idx %arg12[%mul3A_47], %broadcast_in_dim3A_1 : memref<240xf32, #tpu.memory_space<vmem>>[vector<16xi32>], vector<16xf32>,
    %add3A_48 = arith.constant 1 : i32
    %add3A_49 = vector.broadcast %add3A_48 : i32 to vector<16xi32>
    %add3A_50 = arith.addi %mul3A_47, %add3A_49 : vector<16xi32>
    tpu.vector_store_idx %arg12[%add3A_50], %div3A_41 : memref<240xf32, #tpu.memory_space<vmem>>[vector<16xi32>], vector<16xf32>,
    %add3A_51 = arith.constant 2 : i32
    %add3A_52 = vector.broadcast %add3A_51 : i32 to vector<16xi32>
    %add3A_53 = arith.addi %mul3A_47, %add3A_52 : vector<16xi32>
    tpu.vector_store_idx %arg12[%add3A_53], %broadcast_in_dim3A_3 : memref<240xf32, #tpu.memory_space<vmem>>[vector<16xi32>], vector<16xf32>,
    %get3A_54 = arith.constant 32 : index
    %get3A_55 = tpu.vector_load %arg10[%get3A_54] {strides = array<i32>} : memref<80xf32, #tpu.memory_space<vmem>>, vector<16xf32>,
    %neg3A_56 = arith.constant 0.000000e+00 : f32
    %neg3A_57 = vector.broadcast %neg3A_56 : f32 to vector<16xf32>
    %neg3A_58 = arith.subf %neg3A_57, %get3A_55 : vector<16xf32>
    %exp3A_59 = math.exp %neg3A_58 : vector<16xf32>
    %add3A_60 = arith.constant 1.000000e+00 : f32
    %add3A_61 = vector.broadcast %add3A_60 : f32 to vector<16xf32>
    %add3A_62 = arith.addf %add3A_61, %exp3A_59 : vector<16xf32>
    %div3A_63 = arith.constant 1.000000e+00 : f32
    %div3A_64 = vector.broadcast %div3A_63 : f32 to vector<16xf32>
    %div3A_65 = arith.divf %div3A_64, %add3A_62 : vector<16xf32>
    %add3A_66 = arith.constant 32 : i32
    %add3A_67 = vector.broadcast %add3A_66 : i32 to vector<16xi32>
    %add3A_68 = arith.addi %add3A_67, %iota3A : vector<16xi32>
    %mul3A_69 = arith.constant 3 : i32
    %mul3A_70 = vector.broadcast %mul3A_69 : i32 to vector<16xi32>
    %mul3A_71 = arith.muli %add3A_68, %mul3A_70 : vector<16xi32>
    tpu.vector_store_idx %arg12[%mul3A_71], %broadcast_in_dim3A_1 : memref<240xf32, #tpu.memory_space<vmem>>[vector<16xi32>], vector<16xf32>,
    %add3A_72 = arith.constant 1 : i32
    %add3A_73 = vector.broadcast %add3A_72 : i32 to vector<16xi32>
    %add3A_74 = arith.addi %mul3A_71, %add3A_73 : vector<16xi32>
    tpu.vector_store_idx %arg12[%add3A_74], %div3A_65 : memref<240xf32, #tpu.memory_space<vmem>>[vector<16xi32>], vector<16xf32>,
    %add3A_75 = arith.constant 2 : i32
    %add3A_76 = vector.broadcast %add3A_75 : i32 to vector<16xi32>
    %add3A_77 = arith.addi %mul3A_71, %add3A_76 : vector<16xi32>
    tpu.vector_store_idx %arg12[%add3A_77], %broadcast_in_dim3A_3 : memref<240xf32, #tpu.memory_space<vmem>>[vector<16xi32>], vector<16xf32>,
    %get3A_78 = arith.constant 48 : index
    %get3A_79 = tpu.vector_load %arg10[%get3A_78] {strides = array<i32>} : memref<80xf32, #tpu.memory_space<vmem>>, vector<16xf32>,
    %neg3A_80 = arith.constant 0.000000e+00 : f32
    %neg3A_81 = vector.broadcast %neg3A_80 : f32 to vector<16xf32>
    %neg3A_82 = arith.subf %neg3A_81, %get3A_79 : vector<16xf32>
    %exp3A_83 = math.exp %neg3A_82 : vector<16xf32>
    %add3A_84 = arith.constant 1.000000e+00 : f32
    %add3A_85 = vector.broadcast %add3A_84 : f32 to vector<16xf32>
    %add3A_86 = arith.addf %add3A_85, %exp3A_83 : vector<16xf32>
    %div3A_87 = arith.constant 1.000000e+00 : f32
    %div3A_88 = vector.broadcast %div3A_87 : f32 to vector<16xf32>
    %div3A_89 = arith.divf %div3A_88, %add3A_86 : vector<16xf32>
    %add3A_90 = arith.constant 48 : i32
    %add3A_91 = vector.broadcast %add3A_90 : i32 to vector<16xi32>
    %add3A_92 = arith.addi %add3A_91, %iota3A : vector<16xi32>
    %mul3A_93 = arith.constant 3 : i32
    %mul3A_94 = vector.broadcast %mul3A_93 : i32 to vector<16xi32>
    %mul3A_95 = arith.muli %add3A_92, %mul3A_94 : vector<16xi32>
    tpu.vector_store_idx %arg12[%mul3A_95], %broadcast_in_dim3A_1 : memref<240xf32, #tpu.memory_space<vmem>>[vector<16xi32>], vector<16xf32>,
    %add3A_96 = arith.constant 1 : i32
    %add3A_97 = vector.broadcast %add3A_96 : i32 to vector<16xi32>
    %add3A_98 = arith.addi %mul3A_95, %add3A_97 : vector<16xi32>
    tpu.vector_store_idx %arg12[%add3A_98], %div3A_89 : memref<240xf32, #tpu.memory_space<vmem>>[vector<16xi32>], vector<16xf32>,
    %add3A_99 = arith.constant 2 : i32
    %add3A_100 = vector.broadcast %add3A_99 : i32 to vector<16xi32>
    %add3A_101 = arith.addi %mul3A_95, %add3A_100 : vector<16xi32>
    tpu.vector_store_idx %arg12[%add3A_101], %broadcast_in_dim3A_3 : memref<240xf32, #tpu.memory_space<vmem>>[vector<16xi32>], vector<16xf32>,
    %get3A_102 = arith.constant 64 : index
    %get3A_103 = tpu.vector_load %arg10[%get3A_102] {strides = array<i32>} : memref<80xf32, #tpu.memory_space<vmem>>, vector<16xf32>,
    %neg3A_104 = arith.constant 0.000000e+00 : f32
    %neg3A_105 = vector.broadcast %neg3A_104 : f32 to vector<16xf32>
    %neg3A_106 = arith.subf %neg3A_105, %get3A_103 : vector<16xf32>
    %exp3A_107 = math.exp %neg3A_106 : vector<16xf32>
    %add3A_108 = arith.constant 1.000000e+00 : f32
    %add3A_109 = vector.broadcast %add3A_108 : f32 to vector<16xf32>
    %add3A_110 = arith.addf %add3A_109, %exp3A_107 : vector<16xf32>
    %div3A_111 = arith.constant 1.000000e+00 : f32
    %div3A_112 = vector.broadcast %div3A_111 : f32 to vector<16xf32>
    %div3A_113 = arith.divf %div3A_112, %add3A_110 : vector<16xf32>
    %add3A_114 = arith.constant 64 : i32
    %add3A_115 = vector.broadcast %add3A_114 : i32 to vector<16xi32>
    %add3A_116 = arith.addi %add3A_115, %iota3A : vector<16xi32>
    %mul3A_117 = arith.constant 3 : i32
    %mul3A_118 = vector.broadcast %mul3A_117 : i32 to vector<16xi32>
    %mul3A_119 = arith.muli %add3A_116, %mul3A_118 : vector<16xi32>
    tpu.vector_store_idx %arg12[%mul3A_119], %broadcast_in_dim3A_1 : memref<240xf32, #tpu.memory_space<vmem>>[vector<16xi32>], vector<16xf32>,
    %add3A_120 = arith.constant 1 : i32
    %add3A_121 = vector.broadcast %add3A_120 : i32 to vector<16xi32>
    %add3A_122 = arith.addi %mul3A_119, %add3A_121 : vector<16xi32>
    tpu.vector_store_idx %arg12[%add3A_122], %div3A_113 : memref<240xf32, #tpu.memory_space<vmem>>[vector<16xi32>], vector<16xf32>,
    %add3A_123 = arith.constant 2 : i32
    %add3A_124 = vector.broadcast %add3A_123 : i32 to vector<16xi32>
    %add3A_125 = arith.addi %mul3A_119, %add3A_124 : vector<16xi32>
    tpu.vector_store_idx %arg12[%add3A_125], %broadcast_in_dim3A_3 : memref<240xf32, #tpu.memory_space<vmem>>[vector<16xi32>], vector<16xf32>,
    %scan3A_126 = arith.constant 0 : i32
    %scan3A_127 = arith.constant 0 : i32
    %scan3A_128 = arith.constant 8 : i32
    %scan3A_129 = arith.addi %scan3A_127, %scan3A_128 : i32
    %scan3A_130 = arith.constant 1 : i32
    %scan3A_131 = scf.for %scan3A_133 = %scan3A_127 to %scan3A_129 step %scan3A_130 iter_args(%scan3A_134 = %scan3A_126) -> (i32)  : i32 {
      %mul3A_135 = arith.constant 8 : i32
      %mul3A_136 = arith.muli %add3A, %mul3A_135 : i32
      %add3A_137 = arith.addi %mul3A_136, %scan3A_133 : i32
      "tpu.region"() ({
        %run_scoped3A = tpu.sem_alloc : memref<!tpu.dma_semaphore, #tpu.memory_space<semaphore_mem>>
        %dma_start3A = arith.constant 0 : i32
        %dma_start3A_165 = tpu.memref_slice %arg2[%add3A_137, %dma_start3A] : memref<256x1600xi32, #tpu.memory_space<hbm>> -> memref<1x1600xi32, #tpu.memory_space<hbm>>
        %dma_start3A_166 = tpu.memref_squeeze %dma_start3A_165 : memref<1x1600xi32, #tpu.memory_space<hbm>> -> memref<1600xi32, #tpu.memory_space<hbm>>
        %dma_start3A_167 = arith.constant 0 : i32
        %dma_start3A_168 = tpu.memref_slice %arg2[%add3A_137, %dma_start3A_167] : memref<256x1600xi32, #tpu.memory_space<hbm>> -> memref<1x1600xi32, #tpu.memory_space<hbm>>
        %dma_start3A_169 = tpu.memref_squeeze %dma_start3A_168 : memref<1x1600xi32, #tpu.memory_space<hbm>> -> memref<1600xi32, #tpu.memory_space<hbm>>
        tpu.enqueue_dma source(%dma_start3A_169 : memref<1600xi32, #tpu.memory_space<hbm>>) target(%arg7 : memref<1600xi32, #tpu.memory_space<vmem>>) target_semaphore(%run_scoped3A : memref<!tpu.dma_semaphore, #tpu.memory_space<semaphore_mem>>)
        %dma_wait3A = arith.constant 0 : i32
        %dma_wait3A_170 = tpu.memref_slice %arg2[%add3A_137, %dma_wait3A] : memref<256x1600xi32, #tpu.memory_space<hbm>> -> memref<1x1600xi32, #tpu.memory_space<hbm>>
        %dma_wait3A_171 = tpu.memref_squeeze %dma_wait3A_170 : memref<1x1600xi32, #tpu.memory_space<hbm>> -> memref<1600xi32, #tpu.memory_space<hbm>>
        %dma_wait3A_172 = arith.constant 0 : i32
        %dma_wait3A_173 = tpu.memref_slice %arg2[%add3A_137, %dma_wait3A_172] : memref<256x1600xi32, #tpu.memory_space<hbm>> -> memref<1x1600xi32, #tpu.memory_space<hbm>>
        %dma_wait3A_174 = tpu.memref_squeeze %dma_wait3A_173 : memref<1x1600xi32, #tpu.memory_space<hbm>> -> memref<1600xi32, #tpu.memory_space<hbm>>
        tpu.wait_dma2 semaphore(%run_scoped3A : memref<!tpu.dma_semaphore, #tpu.memory_space<semaphore_mem>>) src(%dma_wait3A_174 : memref<1600xi32, #tpu.memory_space<hbm>>) dst(%arg7 : memref<1600xi32, #tpu.memory_space<vmem>>)
        tpu.yield
      }) : () -> ()
      %broadcast_in_dim3A_138 = arith.constant -1 : i32
      %broadcast_in_dim3A_139 = vector.broadcast %broadcast_in_dim3A_138 : i32 to vector<16xi32>
      %broadcast_in_dim3A_140 = arith.constant -1 : i32
      %broadcast_in_dim3A_141 = vector.broadcast %broadcast_in_dim3A_140 : i32 to vector<16xi32>
      %broadcast_in_dim3A_142 = arith.constant -1 : i32
      %broadcast_in_dim3A_143 = vector.broadcast %broadcast_in_dim3A_142 : i32 to vector<16xi32>
      %broadcast_in_dim3A_144 = arith.constant -1 : i32
      %broadcast_in_dim3A_145 = vector.broadcast %broadcast_in_dim3A_144 : i32 to vector<16xi32>
      %broadcast_in_dim3A_146 = arith.constant -1 : i32
      %broadcast_in_dim3A_147 = vector.broadcast %broadcast_in_dim3A_146 : i32 to vector<16xi32>
      %broadcast_in_dim3A_148 = arith.constant 1 : i32
      %broadcast_in_dim3A_149 = vector.broadcast %broadcast_in_dim3A_148 : i32 to vector<16xi32>
      %broadcast_in_dim3A_150 = arith.constant 1 : i32
      %broadcast_in_dim3A_151 = vector.broadcast %broadcast_in_dim3A_150 : i32 to vector<16xi32>
      %broadcast_in_dim3A_152 = arith.constant 1 : i32
      %broadcast_in_dim3A_153 = vector.broadcast %broadcast_in_dim3A_152 : i32 to vector<16xi32>
      %broadcast_in_dim3A_154 = arith.constant 1 : i32
      %broadcast_in_dim3A_155 = vector.broadcast %broadcast_in_dim3A_154 : i32 to vector<16xi32>
      %broadcast_in_dim3A_156 = arith.constant 1 : i32
      %broadcast_in_dim3A_157 = vector.broadcast %broadcast_in_dim3A_156 : i32 to vector<16xi32>
      %scan3A_158 = arith.constant 0 : i32
      %scan3A_159 = arith.constant 9 : i32
      %scan3A_160 = arith.addi %scan3A_158, %scan3A_159 : i32
      %scan3A_161 = arith.constant 1 : i32
      %scan3A_162:10 = scf.for %scan3A_165 = %scan3A_158 to %scan3A_160 step %scan3A_161 iter_args(%scan3A_166 = %broadcast_in_dim3A_139, %scan3A_167 = %broadcast_in_dim3A_141, %scan3A_168 = %broadcast_in_dim3A_143, %scan3A_169 = %broadcast_in_dim3A_145, %scan3A_170 = %broadcast_in_dim3A_147, %scan3A_171 = %broadcast_in_dim3A_149, %scan3A_172 = %broadcast_in_dim3A_151, %scan3A_173 = %broadcast_in_dim3A_153, %scan3A_174 = %broadcast_in_dim3A_155, %scan3A_175 = %broadcast_in_dim3A_157) -> (vector<16xi32>, vector<16xi32>, vector<16xi32>, vector<16xi32>, vector<16xi32>, vector<16xi32>, vector<16xi32>, vector<16xi32>, vector<16xi32>, vector<16xi32>)  : i32 {
        %mul3A_176 = arith.constant 2 : i32
        %mul3A_177 = arith.muli %mul3A_176, %scan3A_165 : i32
        %mul3A_178 = arith.constant 80 : i32
        %mul3A_179 = arith.muli %mul3A_177, %mul3A_178 : i32
        %mul3A_180 = arith.constant 3240 : i32
        %mul3A_181 = arith.muli %mul3A_177, %mul3A_180 : i32
        %mul3A_182 = arith.constant 80 : i32
        %mul3A_183 = arith.muli %mul3A_177, %mul3A_182 : i32
        %add3A_184 = arith.constant 0 : i32
        %add3A_185 = arith.addi %mul3A_183, %add3A_184 : i32
        %get3A_186 = arith.index_cast %add3A_185 : i32 to index
        %get3A_187 = tpu.vector_load %arg7[%get3A_186] {strides = array<i32>} : memref<1600xi32, #tpu.memory_space<vmem>>, vector<16xi32>,
        %add3A_188 = arith.constant 1 : i32
        %add3A_189 = arith.addi %mul3A_177, %add3A_188 : i32
        %mul3A_190 = arith.constant 80 : i32
        %mul3A_191 = arith.muli %add3A_189, %mul3A_190 : i32
        %add3A_192 = arith.constant 0 : i32
        %add3A_193 = arith.addi %mul3A_191, %add3A_192 : i32
        %get3A_194 = arith.index_cast %add3A_193 : i32 to index
        %get3A_195 = tpu.vector_load %arg7[%get3A_194] {strides = array<i32>} : memref<1600xi32, #tpu.memory_space<vmem>>, vector<16xi32>,
        %add3A_196 = arith.constant 2 : i32
        %add3A_197 = arith.addi %mul3A_177, %add3A_196 : i32
        %mul3A_198 = arith.constant 80 : i32
        %mul3A_199 = arith.muli %add3A_197, %mul3A_198 : i32
        %add3A_200 = arith.constant 0 : i32
        %add3A_201 = arith.addi %mul3A_199, %add3A_200 : i32
        %get3A_202 = arith.index_cast %add3A_201 : i32 to index
        %get3A_203 = tpu.vector_load %arg7[%get3A_202] {strides = array<i32>} : memref<1600xi32, #tpu.memory_space<vmem>>, vector<16xi32>,
        %add3A_204 = arith.addi %get3A_187, %get3A_203 : vector<16xi32>
        %mul3A_205 = arith.constant 2 : i32
        %mul3A_206 = vector.broadcast %mul3A_205 : i32 to vector<16xi32>
        %mul3A_207 = arith.muli %mul3A_206, %get3A_187 : vector<16xi32>
        %mul3A_208 = arith.muli %mul3A_207, %get3A_203 : vector<16xi32>
        %sub3A = arith.subi %add3A_204, %mul3A_208 : vector<16xi32>
        %add3A_209 = arith.addi %get3A_187, %get3A_203 : vector<16xi32>
        %sub3A_210 = arith.constant 1 : i32
        %sub3A_211 = vector.broadcast %sub3A_210 : i32 to vector<16xi32>
        %sub3A_212 = arith.subi %sub3A_211, %add3A_209 : vector<16xi32>
        %mul3A_213 = arith.muli %get3A_195, %sub3A_212 : vector<16xi32>
        %mul3A_214 = arith.muli %get3A_187, %get3A_203 : vector<16xi32>
        %add3A_215 = arith.addi %mul3A_213, %mul3A_214 : vector<16xi32>
        %mul3A_216 = arith.constant 2 : i32
        %mul3A_217 = vector.broadcast %mul3A_216 : i32 to vector<16xi32>
        %mul3A_218 = arith.muli %mul3A_217, %add3A_215 : vector<16xi32>
        %sub3A_219 = arith.constant 1 : i32
        %sub3A_220 = vector.broadcast %sub3A_219 : i32 to vector<16xi32>
        %sub3A_221 = arith.subi %sub3A_220, %mul3A_218 : vector<16xi32>
        %mul3A_222 = arith.muli %scan3A_171, %sub3A_221 : vector<16xi32>
        %mul3A_223 = arith.muli %mul3A_222, %sub3A : vector<16xi32>
        %add3A_224 = arith.addi %scan3A_166, %mul3A_223 : vector<16xi32>
        %jit3A = arith.constant -1 : i32
        %jit3A_225 = arith.constant 1 : i32
        %max3A = vector.broadcast %jit3A : i32 to vector<16xi32>
        %max3A_226 = arith.maxsi %max3A, %add3A_224 : vector<16xi32>
        %min3A = vector.broadcast %jit3A_225 : i32 to vector<16xi32>
        %min3A_227 = arith.minsi %min3A, %max3A_226 : vector<16xi32>
        %sub3A_228 = arith.constant 1 : i32
        %sub3A_229 = vector.broadcast %sub3A_228 : i32 to vector<16xi32>
        %sub3A_230 = arith.subi %sub3A_229, %add3A_215 : vector<16xi32>
        %mul3A_231 = arith.muli %min3A_227, %min3A_227 : vector<16xi32>
        %mul3A_232 = arith.muli %mul3A_231, %sub3A_230 : vector<16xi32>
        %sub3A_233 = arith.constant 1 : i32
        %sub3A_234 = vector.broadcast %sub3A_233 : i32 to vector<16xi32>
        %sub3A_235 = arith.subi %sub3A_234, %mul3A_232 : vector<16xi32>
        %mul3A_236 = arith.muli %mul3A_222, %sub3A_235 : vector<16xi32>
        %mul3A_237 = arith.muli %min3A_227, %sub3A_230 : vector<16xi32>
        %sub3A_238 = arith.subi %mul3A_236, %mul3A_237 : vector<16xi32>
        %add3A_239 = arith.constant 1 : i32
        %add3A_240 = vector.broadcast %add3A_239 : i32 to vector<16xi32>
        %add3A_241 = arith.addi %min3A_227, %add3A_240 : vector<16xi32>
        %add3A_242 = arith.constant 0 : i32
        %add3A_243 = arith.addi %mul3A_179, %add3A_242 : i32
        %swap3A = arith.index_cast %add3A_243 : i32 to index
        %swap3A_244 = tpu.vector_load %arg14[%swap3A] {strides = array<i32>} : memref<1440xi32, #tpu.memory_space<vmem>>, vector<16xi32>,
        tpu.vector_store %arg14[%swap3A], %add3A_241 {strides = array<i32>} : memref<1440xi32, #tpu.memory_space<vmem>>, vector<16xi32>,
        %mul3A_245 = arith.constant 3 : i32
        %mul3A_246 = vector.broadcast %mul3A_245 : i32 to vector<16xi32>
        %mul3A_247 = arith.muli %add3A_241, %mul3A_246 : vector<16xi32>
        %add3A_248 = arith.constant 0 : i32
        %add3A_249 = arith.addi %mul3A_179, %add3A_248 : i32
        %swap3A_250 = arith.index_cast %add3A_249 : i32 to index
        %swap3A_251 = tpu.vector_load %arg13[%swap3A_250] {strides = array<i32>} : memref<1440xi32, #tpu.memory_space<vmem>>, vector<16xi32>,
        tpu.vector_store %arg13[%swap3A_250], %mul3A_247 {strides = array<i32>} : memref<1440xi32, #tpu.memory_space<vmem>>, vector<16xi32>,
        %add3A_252 = arith.constant 0 : i32
        %add3A_253 = vector.broadcast %add3A_252 : i32 to vector<16xi32>
        %add3A_254 = arith.addi %add3A_253, %iota3A : vector<16xi32>
        %mul3A_255 = arith.constant 3 : i32
        %mul3A_256 = vector.broadcast %mul3A_255 : i32 to vector<16xi32>
        %mul3A_257 = arith.muli %add3A_254, %mul3A_256 : vector<16xi32>
        %add3A_258 = arith.addi %mul3A_257, %add3A_241 : vector<16xi32>
        %gather3A = tpu.vector_load_idx %arg12[%add3A_258] : memref<240xf32, #tpu.memory_space<vmem>>[vector<16xi32>], vector<16xf32>,
        %add3A_259 = arith.constant 0 : i32
        %add3A_260 = arith.addi %mul3A_181, %add3A_259 : i32
        %swap3A_261 = arith.index_cast %add3A_260 : i32 to index
        %swap3A_262 = tpu.vector_load %arg15[%swap3A_261] {strides = array<i32>} : memref<58320xf32, #tpu.memory_space<vmem>>, vector<16xf32>,
        tpu.vector_store %arg15[%swap3A_261], %gather3A {strides = array<i32>} : memref<58320xf32, #tpu.memory_space<vmem>>, vector<16xf32>,
        %mul3A_263 = arith.constant 80 : i32
        %mul3A_264 = arith.muli %mul3A_177, %mul3A_263 : i32
        %add3A_265 = arith.constant 16 : i32
        %add3A_266 = arith.addi %mul3A_264, %add3A_265 : i32
        %get3A_267 = arith.index_cast %add3A_266 : i32 to index
        %get3A_268 = tpu.vector_load %arg7[%get3A_267] {strides = array<i32>} : memref<1600xi32, #tpu.memory_space<vmem>>, vector<16xi32>,
        %add3A_269 = arith.constant 1 : i32
        %add3A_270 = arith.addi %mul3A_177, %add3A_269 : i32
        %mul3A_271 = arith.constant 80 : i32
        %mul3A_272 = arith.muli %add3A_270, %mul3A_271 : i32
        %add3A_273 = arith.constant 16 : i32
        %add3A_274 = arith.addi %mul3A_272, %add3A_273 : i32
        %get3A_275 = arith.index_cast %add3A_274 : i32 to index
        %get3A_276 = tpu.vector_load %arg7[%get3A_275] {strides = array<i32>} : memref<1600xi32, #tpu.memory_space<vmem>>, vector<16xi32>,
        %add3A_277 = arith.constant 2 : i32
        %add3A_278 = arith.addi %mul3A_177, %add3A_277 : i32
        %mul3A_279 = arith.constant 80 : i32
        %mul3A_280 = arith.muli %add3A_278, %mul3A_279 : i32
        %add3A_281 = arith.constant 16 : i32
        %add3A_282 = arith.addi %mul3A_280, %add3A_281 : i32
        %get3A_283 = arith.index_cast %add3A_282 : i32 to index
        %get3A_284 = tpu.vector_load %arg7[%get3A_283] {strides = array<i32>} : memref<1600xi32, #tpu.memory_space<vmem>>, vector<16xi32>,
        %add3A_285 = arith.addi %get3A_268, %get3A_284 : vector<16xi32>
        %mul3A_286 = arith.constant 2 : i32
        %mul3A_287 = vector.broadcast %mul3A_286 : i32 to vector<16xi32>
        %mul3A_288 = arith.muli %mul3A_287, %get3A_268 : vector<16xi32>
        %mul3A_289 = arith.muli %mul3A_288, %get3A_284 : vector<16xi32>
        %sub3A_290 = arith.subi %add3A_285, %mul3A_289 : vector<16xi32>
        %add3A_291 = arith.addi %get3A_268, %get3A_284 : vector<16xi32>
        %sub3A_292 = arith.constant 1 : i32
        %sub3A_293 = vector.broadcast %sub3A_292 : i32 to vector<16xi32>
        %sub3A_294 = arith.subi %sub3A_293, %add3A_291 : vector<16xi32>
        %mul3A_295 = arith.muli %get3A_276, %sub3A_294 : vector<16xi32>
        %mul3A_296 = arith.muli %get3A_268, %get3A_284 : vector<16xi32>
        %add3A_297 = arith.addi %mul3A_295, %mul3A_296 : vector<16xi32>
        %mul3A_298 = arith.constant 2 : i32
        %mul3A_299 = vector.broadcast %mul3A_298 : i32 to vector<16xi32>
        %mul3A_300 = arith.muli %mul3A_299, %add3A_297 : vector<16xi32>
        %sub3A_301 = arith.constant 1 : i32
        %sub3A_302 = vector.broadcast %sub3A_301 : i32 to vector<16xi32>
        %sub3A_303 = arith.subi %sub3A_302, %mul3A_300 : vector<16xi32>
        %mul3A_304 = arith.muli %scan3A_172, %sub3A_303 : vector<16xi32>
        %mul3A_305 = arith.muli %mul3A_304, %sub3A_290 : vector<16xi32>
        %add3A_306 = arith.addi %scan3A_167, %mul3A_305 : vector<16xi32>
        %jit3A_307 = arith.constant -1 : i32
        %jit3A_308 = arith.constant 1 : i32
        %max3A_309 = vector.broadcast %jit3A_307 : i32 to vector<16xi32>
        %max3A_310 = arith.maxsi %max3A_309, %add3A_306 : vector<16xi32>
        %min3A_311 = vector.broadcast %jit3A_308 : i32 to vector<16xi32>
        %min3A_312 = arith.minsi %min3A_311, %max3A_310 : vector<16xi32>
        %sub3A_313 = arith.constant 1 : i32
        %sub3A_314 = vector.broadcast %sub3A_313 : i32 to vector<16xi32>
        %sub3A_315 = arith.subi %sub3A_314, %add3A_297 : vector<16xi32>
        %mul3A_316 = arith.muli %min3A_312, %min3A_312 : vector<16xi32>
        %mul3A_317 = arith.muli %mul3A_316, %sub3A_315 : vector<16xi32>
        %sub3A_318 = arith.constant 1 : i32
        %sub3A_319 = vector.broadcast %sub3A_318 : i32 to vector<16xi32>
        %sub3A_320 = arith.subi %sub3A_319, %mul3A_317 : vector<16xi32>
        %mul3A_321 = arith.muli %mul3A_304, %sub3A_320 : vector<16xi32>
        %mul3A_322 = arith.muli %min3A_312, %sub3A_315 : vector<16xi32>
        %sub3A_323 = arith.subi %mul3A_321, %mul3A_322 : vector<16xi32>
        %add3A_324 = arith.constant 1 : i32
        %add3A_325 = vector.broadcast %add3A_324 : i32 to vector<16xi32>
        %add3A_326 = arith.addi %min3A_312, %add3A_325 : vector<16xi32>
        %add3A_327 = arith.constant 16 : i32
        %add3A_328 = arith.addi %mul3A_179, %add3A_327 : i32
        %swap3A_329 = arith.index_cast %add3A_328 : i32 to index
        %swap3A_330 = tpu.vector_load %arg14[%swap3A_329] {strides = array<i32>} : memref<1440xi32, #tpu.memory_space<vmem>>, vector<16xi32>,
        tpu.vector_store %arg14[%swap3A_329], %add3A_326 {strides = array<i32>} : memref<1440xi32, #tpu.memory_space<vmem>>, vector<16xi32>,
        %mul3A_331 = arith.constant 3 : i32
        %mul3A_332 = vector.broadcast %mul3A_331 : i32 to vector<16xi32>
        %mul3A_333 = arith.muli %add3A_326, %mul3A_332 : vector<16xi32>
        %add3A_334 = arith.constant 16 : i32
        %add3A_335 = arith.addi %mul3A_179, %add3A_334 : i32
        %swap3A_336 = arith.index_cast %add3A_335 : i32 to index
        %swap3A_337 = tpu.vector_load %arg13[%swap3A_336] {strides = array<i32>} : memref<1440xi32, #tpu.memory_space<vmem>>, vector<16xi32>,
        tpu.vector_store %arg13[%swap3A_336], %mul3A_333 {strides = array<i32>} : memref<1440xi32, #tpu.memory_space<vmem>>, vector<16xi32>,
        %add3A_338 = arith.constant 16 : i32
        %add3A_339 = vector.broadcast %add3A_338 : i32 to vector<16xi32>
        %add3A_340 = arith.addi %add3A_339, %iota3A : vector<16xi32>
        %mul3A_341 = arith.constant 3 : i32
        %mul3A_342 = vector.broadcast %mul3A_341 : i32 to vector<16xi32>
        %mul3A_343 = arith.muli %add3A_340, %mul3A_342 : vector<16xi32>
        %add3A_344 = arith.addi %mul3A_343, %add3A_326 : vector<16xi32>
        %gather3A_345 = tpu.vector_load_idx %arg12[%add3A_344] : memref<240xf32, #tpu.memory_space<vmem>>[vector<16xi32>], vector<16xf32>,
        %add3A_346 = arith.constant 16 : i32
        %add3A_347 = arith.addi %mul3A_181, %add3A_346 : i32
        %swap3A_348 = arith.index_cast %add3A_347 : i32 to index
        %swap3A_349 = tpu.vector_load %arg15[%swap3A_348] {strides = array<i32>} : memref<58320xf32, #tpu.memory_space<vmem>>, vector<16xf32>,
        tpu.vector_store %arg15[%swap3A_348], %gather3A_345 {strides = array<i32>} : memref<58320xf32, #tpu.memory_space<vmem>>, vector<16xf32>,
        %mul3A_350 = arith.constant 80 : i32
        %mul3A_351 = arith.muli %mul3A_177, %mul3A_350 : i32
        %add3A_352 = arith.constant 32 : i32
        %add3A_353 = arith.addi %mul3A_351, %add3A_352 : i32
        %get3A_354 = arith.index_cast %add3A_353 : i32 to index
        %get3A_355 = tpu.vector_load %arg7[%get3A_354] {strides = array<i32>} : memref<1600xi32, #tpu.memory_space<vmem>>, vector<16xi32>,
        %add3A_356 = arith.constant 1 : i32
        %add3A_357 = arith.addi %mul3A_177, %add3A_356 : i32
        %mul3A_358 = arith.constant 80 : i32
        %mul3A_359 = arith.muli %add3A_357, %mul3A_358 : i32
        %add3A_360 = arith.constant 32 : i32
        %add3A_361 = arith.addi %mul3A_359, %add3A_360 : i32
        %get3A_362 = arith.index_cast %add3A_361 : i32 to index
        %get3A_363 = tpu.vector_load %arg7[%get3A_362] {strides = array<i32>} : memref<1600xi32, #tpu.memory_space<vmem>>, vector<16xi32>,
        %add3A_364 = arith.constant 2 : i32
        %add3A_365 = arith.addi %mul3A_177, %add3A_364 : i32
        %mul3A_366 = arith.constant 80 : i32
        %mul3A_367 = arith.muli %add3A_365, %mul3A_366 : i32
        %add3A_368 = arith.constant 32 : i32
        %add3A_369 = arith.addi %mul3A_367, %add3A_368 : i32
        %get3A_370 = arith.index_cast %add3A_369 : i32 to index
        %get3A_371 = tpu.vector_load %arg7[%get3A_370] {strides = array<i32>} : memref<1600xi32, #tpu.memory_space<vmem>>, vector<16xi32>,
        %add3A_372 = arith.addi %get3A_355, %get3A_371 : vector<16xi32>
        %mul3A_373 = arith.constant 2 : i32
        %mul3A_374 = vector.broadcast %mul3A_373 : i32 to vector<16xi32>
        %mul3A_375 = arith.muli %mul3A_374, %get3A_355 : vector<16xi32>
        %mul3A_376 = arith.muli %mul3A_375, %get3A_371 : vector<16xi32>
        %sub3A_377 = arith.subi %add3A_372, %mul3A_376 : vector<16xi32>
        %add3A_378 = arith.addi %get3A_355, %get3A_371 : vector<16xi32>
        %sub3A_379 = arith.constant 1 : i32
        %sub3A_380 = vector.broadcast %sub3A_379 : i32 to vector<16xi32>
        %sub3A_381 = arith.subi %sub3A_380, %add3A_378 : vector<16xi32>
        %mul3A_382 = arith.muli %get3A_363, %sub3A_381 : vector<16xi32>
        %mul3A_383 = arith.muli %get3A_355, %get3A_371 : vector<16xi32>
        %add3A_384 = arith.addi %mul3A_382, %mul3A_383 : vector<16xi32>
        %mul3A_385 = arith.constant 2 : i32
        %mul3A_386 = vector.broadcast %mul3A_385 : i32 to vector<16xi32>
        %mul3A_387 = arith.muli %mul3A_386, %add3A_384 : vector<16xi32>
        %sub3A_388 = arith.constant 1 : i32
        %sub3A_389 = vector.broadcast %sub3A_388 : i32 to vector<16xi32>
        %sub3A_390 = arith.subi %sub3A_389, %mul3A_387 : vector<16xi32>
        %mul3A_391 = arith.muli %scan3A_173, %sub3A_390 : vector<16xi32>
        %mul3A_392 = arith.muli %mul3A_391, %sub3A_377 : vector<16xi32>
        %add3A_393 = arith.addi %scan3A_168, %mul3A_392 : vector<16xi32>
        %jit3A_394 = arith.constant -1 : i32
        %jit3A_395 = arith.constant 1 : i32
        %max3A_396 = vector.broadcast %jit3A_394 : i32 to vector<16xi32>
        %max3A_397 = arith.maxsi %max3A_396, %add3A_393 : vector<16xi32>
        %min3A_398 = vector.broadcast %jit3A_395 : i32 to vector<16xi32>
        %min3A_399 = arith.minsi %min3A_398, %max3A_397 : vector<16xi32>
        %sub3A_400 = arith.constant 1 : i32
        %sub3A_401 = vector.broadcast %sub3A_400 : i32 to vector<16xi32>
        %sub3A_402 = arith.subi %sub3A_401, %add3A_384 : vector<16xi32>
        %mul3A_403 = arith.muli %min3A_399, %min3A_399 : vector<16xi32>
        %mul3A_404 = arith.muli %mul3A_403, %sub3A_402 : vector<16xi32>
        %sub3A_405 = arith.constant 1 : i32
        %sub3A_406 = vector.broadcast %sub3A_405 : i32 to vector<16xi32>
        %sub3A_407 = arith.subi %sub3A_406, %mul3A_404 : vector<16xi32>
        %mul3A_408 = arith.muli %mul3A_391, %sub3A_407 : vector<16xi32>
        %mul3A_409 = arith.muli %min3A_399, %sub3A_402 : vector<16xi32>
        %sub3A_410 = arith.subi %mul3A_408, %mul3A_409 : vector<16xi32>
        %add3A_411 = arith.constant 1 : i32
        %add3A_412 = vector.broadcast %add3A_411 : i32 to vector<16xi32>
        %add3A_413 = arith.addi %min3A_399, %add3A_412 : vector<16xi32>
        %add3A_414 = arith.constant 32 : i32
        %add3A_415 = arith.addi %mul3A_179, %add3A_414 : i32
        %swap3A_416 = arith.index_cast %add3A_415 : i32 to index
        %swap3A_417 = tpu.vector_load %arg14[%swap3A_416] {strides = array<i32>} : memref<1440xi32, #tpu.memory_space<vmem>>, vector<16xi32>,
        tpu.vector_store %arg14[%swap3A_416], %add3A_413 {strides = array<i32>} : memref<1440xi32, #tpu.memory_space<vmem>>, vector<16xi32>,
        %mul3A_418 = arith.constant 3 : i32
        %mul3A_419 = vector.broadcast %mul3A_418 : i32 to vector<16xi32>
        %mul3A_420 = arith.muli %add3A_413, %mul3A_419 : vector<16xi32>
        %add3A_421 = arith.constant 32 : i32
        %add3A_422 = arith.addi %mul3A_179, %add3A_421 : i32
        %swap3A_423 = arith.index_cast %add3A_422 : i32 to index
        %swap3A_424 = tpu.vector_load %arg13[%swap3A_423] {strides = array<i32>} : memref<1440xi32, #tpu.memory_space<vmem>>, vector<16xi32>,
        tpu.vector_store %arg13[%swap3A_423], %mul3A_420 {strides = array<i32>} : memref<1440xi32, #tpu.memory_space<vmem>>, vector<16xi32>,
        %add3A_425 = arith.constant 32 : i32
        %add3A_426 = vector.broadcast %add3A_425 : i32 to vector<16xi32>
        %add3A_427 = arith.addi %add3A_426, %iota3A : vector<16xi32>
        %mul3A_428 = arith.constant 3 : i32
        %mul3A_429 = vector.broadcast %mul3A_428 : i32 to vector<16xi32>
        %mul3A_430 = arith.muli %add3A_427, %mul3A_429 : vector<16xi32>
        %add3A_431 = arith.addi %mul3A_430, %add3A_413 : vector<16xi32>
        %gather3A_432 = tpu.vector_load_idx %arg12[%add3A_431] : memref<240xf32, #tpu.memory_space<vmem>>[vector<16xi32>], vector<16xf32>,
        %add3A_433 = arith.constant 32 : i32
        %add3A_434 = arith.addi %mul3A_181, %add3A_433 : i32
        %swap3A_435 = arith.index_cast %add3A_434 : i32 to index
        %swap3A_436 = tpu.vector_load %arg15[%swap3A_435] {strides = array<i32>} : memref<58320xf32, #tpu.memory_space<vmem>>, vector<16xf32>,
        tpu.vector_store %arg15[%swap3A_435], %gather3A_432 {strides = array<i32>} : memref<58320xf32, #tpu.memory_space<vmem>>, vector<16xf32>,
        %mul3A_437 = arith.constant 80 : i32
        %mul3A_438 = arith.muli %mul3A_177, %mul3A_437 : i32
        %add3A_439 = arith.constant 48 : i32
        %add3A_440 = arith.addi %mul3A_438, %add3A_439 : i32
        %get3A_441 = arith.index_cast %add3A_440 : i32 to index
        %get3A_442 = tpu.vector_load %arg7[%get3A_441] {strides = array<i32>} : memref<1600xi32, #tpu.memory_space<vmem>>, vector<16xi32>,
        %add3A_443 = arith.constant 1 : i32
        %add3A_444 = arith.addi %mul3A_177, %add3A_443 : i32
        %mul3A_445 = arith.constant 80 : i32
        %mul3A_446 = arith.muli %add3A_444, %mul3A_445 : i32
        %add3A_447 = arith.constant 48 : i32
        %add3A_448 = arith.addi %mul3A_446, %add3A_447 : i32
        %get3A_449 = arith.index_cast %add3A_448 : i32 to index
        %get3A_450 = tpu.vector_load %arg7[%get3A_449] {strides = array<i32>} : memref<1600xi32, #tpu.memory_space<vmem>>, vector<16xi32>,
        %add3A_451 = arith.constant 2 : i32
        %add3A_452 = arith.addi %mul3A_177, %add3A_451 : i32
        %mul3A_453 = arith.constant 80 : i32
        %mul3A_454 = arith.muli %add3A_452, %mul3A_453 : i32
        %add3A_455 = arith.constant 48 : i32
        %add3A_456 = arith.addi %mul3A_454, %add3A_455 : i32
        %get3A_457 = arith.index_cast %add3A_456 : i32 to index
        %get3A_458 = tpu.vector_load %arg7[%get3A_457] {strides = array<i32>} : memref<1600xi32, #tpu.memory_space<vmem>>, vector<16xi32>,
        %add3A_459 = arith.addi %get3A_442, %get3A_458 : vector<16xi32>
        %mul3A_460 = arith.constant 2 : i32
        %mul3A_461 = vector.broadcast %mul3A_460 : i32 to vector<16xi32>
        %mul3A_462 = arith.muli %mul3A_461, %get3A_442 : vector<16xi32>
        %mul3A_463 = arith.muli %mul3A_462, %get3A_458 : vector<16xi32>
        %sub3A_464 = arith.subi %add3A_459, %mul3A_463 : vector<16xi32>
        %add3A_465 = arith.addi %get3A_442, %get3A_458 : vector<16xi32>
        %sub3A_466 = arith.constant 1 : i32
        %sub3A_467 = vector.broadcast %sub3A_466 : i32 to vector<16xi32>
        %sub3A_468 = arith.subi %sub3A_467, %add3A_465 : vector<16xi32>
        %mul3A_469 = arith.muli %get3A_450, %sub3A_468 : vector<16xi32>
        %mul3A_470 = arith.muli %get3A_442, %get3A_458 : vector<16xi32>
        %add3A_471 = arith.addi %mul3A_469, %mul3A_470 : vector<16xi32>
        %mul3A_472 = arith.constant 2 : i32
        %mul3A_473 = vector.broadcast %mul3A_472 : i32 to vector<16xi32>
        %mul3A_474 = arith.muli %mul3A_473, %add3A_471 : vector<16xi32>
        %sub3A_475 = arith.constant 1 : i32
        %sub3A_476 = vector.broadcast %sub3A_475 : i32 to vector<16xi32>
        %sub3A_477 = arith.subi %sub3A_476, %mul3A_474 : vector<16xi32>
        %mul3A_478 = arith.muli %scan3A_174, %sub3A_477 : vector<16xi32>
        %mul3A_479 = arith.muli %mul3A_478, %sub3A_464 : vector<16xi32>
        %add3A_480 = arith.addi %scan3A_169, %mul3A_479 : vector<16xi32>
        %jit3A_481 = arith.constant -1 : i32
        %jit3A_482 = arith.constant 1 : i32
        %max3A_483 = vector.broadcast %jit3A_481 : i32 to vector<16xi32>
        %max3A_484 = arith.maxsi %max3A_483, %add3A_480 : vector<16xi32>
        %min3A_485 = vector.broadcast %jit3A_482 : i32 to vector<16xi32>
        %min3A_486 = arith.minsi %min3A_485, %max3A_484 : vector<16xi32>
        %sub3A_487 = arith.constant 1 : i32
        %sub3A_488 = vector.broadcast %sub3A_487 : i32 to vector<16xi32>
        %sub3A_489 = arith.subi %sub3A_488, %add3A_471 : vector<16xi32>
        %mul3A_490 = arith.muli %min3A_486, %min3A_486 : vector<16xi32>
        %mul3A_491 = arith.muli %mul3A_490, %sub3A_489 : vector<16xi32>
        %sub3A_492 = arith.constant 1 : i32
        %sub3A_493 = vector.broadcast %sub3A_492 : i32 to vector<16xi32>
        %sub3A_494 = arith.subi %sub3A_493, %mul3A_491 : vector<16xi32>
        %mul3A_495 = arith.muli %mul3A_478, %sub3A_494 : vector<16xi32>
        %mul3A_496 = arith.muli %min3A_486, %sub3A_489 : vector<16xi32>
        %sub3A_497 = arith.subi %mul3A_495, %mul3A_496 : vector<16xi32>
        %add3A_498 = arith.constant 1 : i32
        %add3A_499 = vector.broadcast %add3A_498 : i32 to vector<16xi32>
        %add3A_500 = arith.addi %min3A_486, %add3A_499 : vector<16xi32>
        %add3A_501 = arith.constant 48 : i32
        %add3A_502 = arith.addi %mul3A_179, %add3A_501 : i32
        %swap3A_503 = arith.index_cast %add3A_502 : i32 to index
        %swap3A_504 = tpu.vector_load %arg14[%swap3A_503] {strides = array<i32>} : memref<1440xi32, #tpu.memory_space<vmem>>, vector<16xi32>,
        tpu.vector_store %arg14[%swap3A_503], %add3A_500 {strides = array<i32>} : memref<1440xi32, #tpu.memory_space<vmem>>, vector<16xi32>,
        %mul3A_505 = arith.constant 3 : i32
        %mul3A_506 = vector.broadcast %mul3A_505 : i32 to vector<16xi32>
        %mul3A_507 = arith.muli %add3A_500, %mul3A_506 : vector<16xi32>
        %add3A_508 = arith.constant 48 : i32
        %add3A_509 = arith.addi %mul3A_179, %add3A_508 : i32
        %swap3A_510 = arith.index_cast %add3A_509 : i32 to index
        %swap3A_511 = tpu.vector_load %arg13[%swap3A_510] {strides = array<i32>} : memref<1440xi32, #tpu.memory_space<vmem>>, vector<16xi32>,
        tpu.vector_store %arg13[%swap3A_510], %mul3A_507 {strides = array<i32>} : memref<1440xi32, #tpu.memory_space<vmem>>, vector<16xi32>,
        %add3A_512 = arith.constant 48 : i32
        %add3A_513 = vector.broadcast %add3A_512 : i32 to vector<16xi32>
        %add3A_514 = arith.addi %add3A_513, %iota3A : vector<16xi32>
        %mul3A_515 = arith.constant 3 : i32
        %mul3A_516 = vector.broadcast %mul3A_515 : i32 to vector<16xi32>
        %mul3A_517 = arith.muli %add3A_514, %mul3A_516 : vector<16xi32>
        %add3A_518 = arith.addi %mul3A_517, %add3A_500 : vector<16xi32>
        %gather3A_519 = tpu.vector_load_idx %arg12[%add3A_518] : memref<240xf32, #tpu.memory_space<vmem>>[vector<16xi32>], vector<16xf32>,
        %add3A_520 = arith.constant 48 : i32
        %add3A_521 = arith.addi %mul3A_181, %add3A_520 : i32
        %swap3A_522 = arith.index_cast %add3A_521 : i32 to index
        %swap3A_523 = tpu.vector_load %arg15[%swap3A_522] {strides = array<i32>} : memref<58320xf32, #tpu.memory_space<vmem>>, vector<16xf32>,
        tpu.vector_store %arg15[%swap3A_522], %gather3A_519 {strides = array<i32>} : memref<58320xf32, #tpu.memory_space<vmem>>, vector<16xf32>,
        %mul3A_524 = arith.constant 80 : i32
        %mul3A_525 = arith.muli %mul3A_177, %mul3A_524 : i32
        %add3A_526 = arith.constant 64 : i32
        %add3A_527 = arith.addi %mul3A_525, %add3A_526 : i32
        %get3A_528 = arith.index_cast %add3A_527 : i32 to index
        %get3A_529 = tpu.vector_load %arg7[%get3A_528] {strides = array<i32>} : memref<1600xi32, #tpu.memory_space<vmem>>, vector<16xi32>,
        %add3A_530 = arith.constant 1 : i32
        %add3A_531 = arith.addi %mul3A_177, %add3A_530 : i32
        %mul3A_532 = arith.constant 80 : i32
        %mul3A_533 = arith.muli %add3A_531, %mul3A_532 : i32
        %add3A_534 = arith.constant 64 : i32
        %add3A_535 = arith.addi %mul3A_533, %add3A_534 : i32
        %get3A_536 = arith.index_cast %add3A_535 : i32 to index
        %get3A_537 = tpu.vector_load %arg7[%get3A_536] {strides = array<i32>} : memref<1600xi32, #tpu.memory_space<vmem>>, vector<16xi32>,
        %add3A_538 = arith.constant 2 : i32
        %add3A_539 = arith.addi %mul3A_177, %add3A_538 : i32
        %mul3A_540 = arith.constant 80 : i32
        %mul3A_541 = arith.muli %add3A_539, %mul3A_540 : i32
        %add3A_542 = arith.constant 64 : i32
        %add3A_543 = arith.addi %mul3A_541, %add3A_542 : i32
        %get3A_544 = arith.index_cast %add3A_543 : i32 to index
        %get3A_545 = tpu.vector_load %arg7[%get3A_544] {strides = array<i32>} : memref<1600xi32, #tpu.memory_space<vmem>>, vector<16xi32>,
        %add3A_546 = arith.addi %get3A_529, %get3A_545 : vector<16xi32>
        %mul3A_547 = arith.constant 2 : i32
        %mul3A_548 = vector.broadcast %mul3A_547 : i32 to vector<16xi32>
        %mul3A_549 = arith.muli %mul3A_548, %get3A_529 : vector<16xi32>
        %mul3A_550 = arith.muli %mul3A_549, %get3A_545 : vector<16xi32>
        %sub3A_551 = arith.subi %add3A_546, %mul3A_550 : vector<16xi32>
        %add3A_552 = arith.addi %get3A_529, %get3A_545 : vector<16xi32>
        %sub3A_553 = arith.constant 1 : i32
        %sub3A_554 = vector.broadcast %sub3A_553 : i32 to vector<16xi32>
        %sub3A_555 = arith.subi %sub3A_554, %add3A_552 : vector<16xi32>
        %mul3A_556 = arith.muli %get3A_537, %sub3A_555 : vector<16xi32>
        %mul3A_557 = arith.muli %get3A_529, %get3A_545 : vector<16xi32>
        %add3A_558 = arith.addi %mul3A_556, %mul3A_557 : vector<16xi32>
        %mul3A_559 = arith.constant 2 : i32
        %mul3A_560 = vector.broadcast %mul3A_559 : i32 to vector<16xi32>
        %mul3A_561 = arith.muli %mul3A_560, %add3A_558 : vector<16xi32>
        %sub3A_562 = arith.constant 1 : i32
        %sub3A_563 = vector.broadcast %sub3A_562 : i32 to vector<16xi32>
        %sub3A_564 = arith.subi %sub3A_563, %mul3A_561 : vector<16xi32>
        %mul3A_565 = arith.muli %scan3A_175, %sub3A_564 : vector<16xi32>
        %mul3A_566 = arith.muli %mul3A_565, %sub3A_551 : vector<16xi32>
        %add3A_567 = arith.addi %scan3A_170, %mul3A_566 : vector<16xi32>
        %jit3A_568 = arith.constant -1 : i32
        %jit3A_569 = arith.constant 1 : i32
        %max3A_570 = vector.broadcast %jit3A_568 : i32 to vector<16xi32>
        %max3A_571 = arith.maxsi %max3A_570, %add3A_567 : vector<16xi32>
        %min3A_572 = vector.broadcast %jit3A_569 : i32 to vector<16xi32>
        %min3A_573 = arith.minsi %min3A_572, %max3A_571 : vector<16xi32>
        %sub3A_574 = arith.constant 1 : i32
        %sub3A_575 = vector.broadcast %sub3A_574 : i32 to vector<16xi32>
        %sub3A_576 = arith.subi %sub3A_575, %add3A_558 : vector<16xi32>
        %mul3A_577 = arith.muli %min3A_573, %min3A_573 : vector<16xi32>
        %mul3A_578 = arith.muli %mul3A_577, %sub3A_576 : vector<16xi32>
        %sub3A_579 = arith.constant 1 : i32
        %sub3A_580 = vector.broadcast %sub3A_579 : i32 to vector<16xi32>
        %sub3A_581 = arith.subi %sub3A_580, %mul3A_578 : vector<16xi32>
        %mul3A_582 = arith.muli %mul3A_565, %sub3A_581 : vector<16xi32>
        %mul3A_583 = arith.muli %min3A_573, %sub3A_576 : vector<16xi32>
        %sub3A_584 = arith.subi %mul3A_582, %mul3A_583 : vector<16xi32>
        %add3A_585 = arith.constant 1 : i32
        %add3A_586 = vector.broadcast %add3A_585 : i32 to vector<16xi32>
        %add3A_587 = arith.addi %min3A_573, %add3A_586 : vector<16xi32>
        %add3A_588 = arith.constant 64 : i32
        %add3A_589 = arith.addi %mul3A_179, %add3A_588 : i32
        %swap3A_590 = arith.index_cast %add3A_589 : i32 to index
        %swap3A_591 = tpu.vector_load %arg14[%swap3A_590] {strides = array<i32>} : memref<1440xi32, #tpu.memory_space<vmem>>, vector<16xi32>,
        tpu.vector_store %arg14[%swap3A_590], %add3A_587 {strides = array<i32>} : memref<1440xi32, #tpu.memory_space<vmem>>, vector<16xi32>,
        %mul3A_592 = arith.constant 3 : i32
        %mul3A_593 = vector.broadcast %mul3A_592 : i32 to vector<16xi32>
        %mul3A_594 = arith.muli %add3A_587, %mul3A_593 : vector<16xi32>
        %add3A_595 = arith.constant 64 : i32
        %add3A_596 = arith.addi %mul3A_179, %add3A_595 : i32
        %swap3A_597 = arith.index_cast %add3A_596 : i32 to index
        %swap3A_598 = tpu.vector_load %arg13[%swap3A_597] {strides = array<i32>} : memref<1440xi32, #tpu.memory_space<vmem>>, vector<16xi32>,
        tpu.vector_store %arg13[%swap3A_597], %mul3A_594 {strides = array<i32>} : memref<1440xi32, #tpu.memory_space<vmem>>, vector<16xi32>,
        %add3A_599 = arith.constant 64 : i32
        %add3A_600 = vector.broadcast %add3A_599 : i32 to vector<16xi32>
        %add3A_601 = arith.addi %add3A_600, %iota3A : vector<16xi32>
        %mul3A_602 = arith.constant 3 : i32
        %mul3A_603 = vector.broadcast %mul3A_602 : i32 to vector<16xi32>
        %mul3A_604 = arith.muli %add3A_601, %mul3A_603 : vector<16xi32>
        %add3A_605 = arith.addi %mul3A_604, %add3A_587 : vector<16xi32>
        %gather3A_606 = tpu.vector_load_idx %arg12[%add3A_605] : memref<240xf32, #tpu.memory_space<vmem>>[vector<16xi32>], vector<16xf32>,
        %add3A_607 = arith.constant 64 : i32
        %add3A_608 = arith.addi %mul3A_181, %add3A_607 : i32
        %swap3A_609 = arith.index_cast %add3A_608 : i32 to index
        %swap3A_610 = tpu.vector_load %arg15[%swap3A_609] {strides = array<i32>} : memref<58320xf32, #tpu.memory_space<vmem>>, vector<16xf32>,
        tpu.vector_store %arg15[%swap3A_609], %gather3A_606 {strides = array<i32>} : memref<58320xf32, #tpu.memory_space<vmem>>, vector<16xf32>,
        %add3A_611 = arith.constant 1 : i32
        %add3A_612 = arith.addi %mul3A_177, %add3A_611 : i32
        %add3A_613 = arith.constant 80 : i32
        %add3A_614 = arith.addi %mul3A_179, %add3A_613 : i32
        %add3A_615 = arith.constant 3240 : i32
        %add3A_616 = arith.addi %mul3A_181, %add3A_615 : i32
        %mul3A_617 = arith.constant 80 : i32
        %mul3A_618 = arith.muli %add3A_612, %mul3A_617 : i32
        %add3A_619 = arith.constant 0 : i32
        %add3A_620 = arith.addi %mul3A_618, %add3A_619 : i32
        %get3A_621 = arith.index_cast %add3A_620 : i32 to index
        %get3A_622 = tpu.vector_load %arg7[%get3A_621] {strides = array<i32>} : memref<1600xi32, #tpu.memory_space<vmem>>, vector<16xi32>,
        %add3A_623 = arith.constant 1 : i32
        %add3A_624 = arith.addi %add3A_612, %add3A_623 : i32
        %mul3A_625 = arith.constant 80 : i32
        %mul3A_626 = arith.muli %add3A_624, %mul3A_625 : i32
        %add3A_627 = arith.constant 0 : i32
        %add3A_628 = arith.addi %mul3A_626, %add3A_627 : i32
        %get3A_629 = arith.index_cast %add3A_628 : i32 to index
        %get3A_630 = tpu.vector_load %arg7[%get3A_629] {strides = array<i32>} : memref<1600xi32, #tpu.memory_space<vmem>>, vector<16xi32>,
        %add3A_631 = arith.constant 2 : i32
        %add3A_632 = arith.addi %add3A_612, %add3A_631 : i32
        %mul3A_633 = arith.constant 80 : i32
        %mul3A_634 = arith.muli %add3A_632, %mul3A_633 : i32
        %add3A_635 = arith.constant 0 : i32
        %add3A_636 = arith.addi %mul3A_634, %add3A_635 : i32
        %get3A_637 = arith.index_cast %add3A_636 : i32 to index
        %get3A_638 = tpu.vector_load %arg7[%get3A_637] {strides = array<i32>} : memref<1600xi32, #tpu.memory_space<vmem>>, vector<16xi32>,
        %add3A_639 = arith.addi %get3A_622, %get3A_638 : vector<16xi32>
        %mul3A_640 = arith.constant 2 : i32
        %mul3A_641 = vector.broadcast %mul3A_640 : i32 to vector<16xi32>
        %mul3A_642 = arith.muli %mul3A_641, %get3A_622 : vector<16xi32>
        %mul3A_643 = arith.muli %mul3A_642, %get3A_638 : vector<16xi32>
        %sub3A_644 = arith.subi %add3A_639, %mul3A_643 : vector<16xi32>
        %add3A_645 = arith.addi %get3A_622, %get3A_638 : vector<16xi32>
        %sub3A_646 = arith.constant 1 : i32
        %sub3A_647 = vector.broadcast %sub3A_646 : i32 to vector<16xi32>
        %sub3A_648 = arith.subi %sub3A_647, %add3A_645 : vector<16xi32>
        %mul3A_649 = arith.muli %get3A_630, %sub3A_648 : vector<16xi32>
        %mul3A_650 = arith.muli %get3A_622, %get3A_638 : vector<16xi32>
        %add3A_651 = arith.addi %mul3A_649, %mul3A_650 : vector<16xi32>
        %mul3A_652 = arith.constant 2 : i32
        %mul3A_653 = vector.broadcast %mul3A_652 : i32 to vector<16xi32>
        %mul3A_654 = arith.muli %mul3A_653, %add3A_651 : vector<16xi32>
        %sub3A_655 = arith.constant 1 : i32
        %sub3A_656 = vector.broadcast %sub3A_655 : i32 to vector<16xi32>
        %sub3A_657 = arith.subi %sub3A_656, %mul3A_654 : vector<16xi32>
        %mul3A_658 = arith.muli %sub3A_238, %sub3A_657 : vector<16xi32>
        %mul3A_659 = arith.muli %mul3A_658, %sub3A_644 : vector<16xi32>
        %add3A_660 = arith.addi %min3A_227, %mul3A_659 : vector<16xi32>
        %jit3A_661 = arith.constant -1 : i32
        %jit3A_662 = arith.constant 1 : i32
        %max3A_663 = vector.broadcast %jit3A_661 : i32 to vector<16xi32>
        %max3A_664 = arith.maxsi %max3A_663, %add3A_660 : vector<16xi32>
        %min3A_665 = vector.broadcast %jit3A_662 : i32 to vector<16xi32>
        %min3A_666 = arith.minsi %min3A_665, %max3A_664 : vector<16xi32>
        %sub3A_667 = arith.constant 1 : i32
        %sub3A_668 = vector.broadcast %sub3A_667 : i32 to vector<16xi32>
        %sub3A_669 = arith.subi %sub3A_668, %add3A_651 : vector<16xi32>
        %mul3A_670 = arith.muli %min3A_666, %min3A_666 : vector<16xi32>
        %mul3A_671 = arith.muli %mul3A_670, %sub3A_669 : vector<16xi32>
        %sub3A_672 = arith.constant 1 : i32
        %sub3A_673 = vector.broadcast %sub3A_672 : i32 to vector<16xi32>
        %sub3A_674 = arith.subi %sub3A_673, %mul3A_671 : vector<16xi32>
        %mul3A_675 = arith.muli %mul3A_658, %sub3A_674 : vector<16xi32>
        %mul3A_676 = arith.muli %min3A_666, %sub3A_669 : vector<16xi32>
        %sub3A_677 = arith.subi %mul3A_675, %mul3A_676 : vector<16xi32>
        %add3A_678 = arith.constant 1 : i32
        %add3A_679 = vector.broadcast %add3A_678 : i32 to vector<16xi32>
        %add3A_680 = arith.addi %min3A_666, %add3A_679 : vector<16xi32>
        %add3A_681 = arith.constant 0 : i32
        %add3A_682 = arith.addi %add3A_614, %add3A_681 : i32
        %swap3A_683 = arith.index_cast %add3A_682 : i32 to index
        %swap3A_684 = tpu.vector_load %arg14[%swap3A_683] {strides = array<i32>} : memref<1440xi32, #tpu.memory_space<vmem>>, vector<16xi32>,
        tpu.vector_store %arg14[%swap3A_683], %add3A_680 {strides = array<i32>} : memref<1440xi32, #tpu.memory_space<vmem>>, vector<16xi32>,
        %mul3A_685 = arith.constant 3 : i32
        %mul3A_686 = vector.broadcast %mul3A_685 : i32 to vector<16xi32>
        %mul3A_687 = arith.muli %add3A_680, %mul3A_686 : vector<16xi32>
        %add3A_688 = arith.constant 0 : i32
        %add3A_689 = arith.addi %add3A_614, %add3A_688 : i32
        %swap3A_690 = arith.index_cast %add3A_689 : i32 to index
        %swap3A_691 = tpu.vector_load %arg13[%swap3A_690] {strides = array<i32>} : memref<1440xi32, #tpu.memory_space<vmem>>, vector<16xi32>,
        tpu.vector_store %arg13[%swap3A_690], %mul3A_687 {strides = array<i32>} : memref<1440xi32, #tpu.memory_space<vmem>>, vector<16xi32>,
        %add3A_692 = arith.constant 0 : i32
        %add3A_693 = vector.broadcast %add3A_692 : i32 to vector<16xi32>
        %add3A_694 = arith.addi %add3A_693, %iota3A : vector<16xi32>
        %mul3A_695 = arith.constant 3 : i32
        %mul3A_696 = vector.broadcast %mul3A_695 : i32 to vector<16xi32>
        %mul3A_697 = arith.muli %add3A_694, %mul3A_696 : vector<16xi32>
        %add3A_698 = arith.addi %mul3A_697, %add3A_680 : vector<16xi32>
        %gather3A_699 = tpu.vector_load_idx %arg12[%add3A_698] : memref<240xf32, #tpu.memory_space<vmem>>[vector<16xi32>], vector<16xf32>,
        %add3A_700 = arith.constant 0 : i32
        %add3A_701 = arith.addi %add3A_616, %add3A_700 : i32
        %swap3A_702 = arith.index_cast %add3A_701 : i32 to index
        %swap3A_703 = tpu.vector_load %arg15[%swap3A_702] {strides = array<i32>} : memref<58320xf32, #tpu.memory_space<vmem>>, vector<16xf32>,
        tpu.vector_store %arg15[%swap3A_702], %gather3A_699 {strides = array<i32>} : memref<58320xf32, #tpu.memory_space<vmem>>, vector<16xf32>,
        %mul3A_704 = arith.constant 80 : i32
        %mul3A_705 = arith.muli %add3A_612, %mul3A_704 : i32
        %add3A_706 = arith.constant 16 : i32
        %add3A_707 = arith.addi %mul3A_705, %add3A_706 : i32
        %get3A_708 = arith.index_cast %add3A_707 : i32 to index
        %get3A_709 = tpu.vector_load %arg7[%get3A_708] {strides = array<i32>} : memref<1600xi32, #tpu.memory_space<vmem>>, vector<16xi32>,
        %add3A_710 = arith.constant 1 : i32
        %add3A_711 = arith.addi %add3A_612, %add3A_710 : i32
        %mul3A_712 = arith.constant 80 : i32
        %mul3A_713 = arith.muli %add3A_711, %mul3A_712 : i32
        %add3A_714 = arith.constant 16 : i32
        %add3A_715 = arith.addi %mul3A_713, %add3A_714 : i32
        %get3A_716 = arith.index_cast %add3A_715 : i32 to index
        %get3A_717 = tpu.vector_load %arg7[%get3A_716] {strides = array<i32>} : memref<1600xi32, #tpu.memory_space<vmem>>, vector<16xi32>,
        %add3A_718 = arith.constant 2 : i32
        %add3A_719 = arith.addi %add3A_612, %add3A_718 : i32
        %mul3A_720 = arith.constant 80 : i32
        %mul3A_721 = arith.muli %add3A_719, %mul3A_720 : i32
        %add3A_722 = arith.constant 16 : i32
        %add3A_723 = arith.addi %mul3A_721, %add3A_722 : i32
        %get3A_724 = arith.index_cast %add3A_723 : i32 to index
        %get3A_725 = tpu.vector_load %arg7[%get3A_724] {strides = array<i32>} : memref<1600xi32, #tpu.memory_space<vmem>>, vector<16xi32>,
        %add3A_726 = arith.addi %get3A_709, %get3A_725 : vector<16xi32>
        %mul3A_727 = arith.constant 2 : i32
        %mul3A_728 = vector.broadcast %mul3A_727 : i32 to vector<16xi32>
        %mul3A_729 = arith.muli %mul3A_728, %get3A_709 : vector<16xi32>
        %mul3A_730 = arith.muli %mul3A_729, %get3A_725 : vector<16xi32>
        %sub3A_731 = arith.subi %add3A_726, %mul3A_730 : vector<16xi32>
        %add3A_732 = arith.addi %get3A_709, %get3A_725 : vector<16xi32>
        %sub3A_733 = arith.constant 1 : i32
        %sub3A_734 = vector.broadcast %sub3A_733 : i32 to vector<16xi32>
        %sub3A_735 = arith.subi %sub3A_734, %add3A_732 : vector<16xi32>
        %mul3A_736 = arith.muli %get3A_717, %sub3A_735 : vector<16xi32>
        %mul3A_737 = arith.muli %get3A_709, %get3A_725 : vector<16xi32>
        %add3A_738 = arith.addi %mul3A_736, %mul3A_737 : vector<16xi32>
        %mul3A_739 = arith.constant 2 : i32
        %mul3A_740 = vector.broadcast %mul3A_739 : i32 to vector<16xi32>
        %mul3A_741 = arith.muli %mul3A_740, %add3A_738 : vector<16xi32>
        %sub3A_742 = arith.constant 1 : i32
        %sub3A_743 = vector.broadcast %sub3A_742 : i32 to vector<16xi32>
        %sub3A_744 = arith.subi %sub3A_743, %mul3A_741 : vector<16xi32>
        %mul3A_745 = arith.muli %sub3A_323, %sub3A_744 : vector<16xi32>
        %mul3A_746 = arith.muli %mul3A_745, %sub3A_731 : vector<16xi32>
        %add3A_747 = arith.addi %min3A_312, %mul3A_746 : vector<16xi32>
        %jit3A_748 = arith.constant -1 : i32
        %jit3A_749 = arith.constant 1 : i32
        %max3A_750 = vector.broadcast %jit3A_748 : i32 to vector<16xi32>
        %max3A_751 = arith.maxsi %max3A_750, %add3A_747 : vector<16xi32>
        %min3A_752 = vector.broadcast %jit3A_749 : i32 to vector<16xi32>
        %min3A_753 = arith.minsi %min3A_752, %max3A_751 : vector<16xi32>
        %sub3A_754 = arith.constant 1 : i32
        %sub3A_755 = vector.broadcast %sub3A_754 : i32 to vector<16xi32>
        %sub3A_756 = arith.subi %sub3A_755, %add3A_738 : vector<16xi32>
        %mul3A_757 = arith.muli %min3A_753, %min3A_753 : vector<16xi32>
        %mul3A_758 = arith.muli %mul3A_757, %sub3A_756 : vector<16xi32>
        %sub3A_759 = arith.constant 1 : i32
        %sub3A_760 = vector.broadcast %sub3A_759 : i32 to vector<16xi32>
        %sub3A_761 = arith.subi %sub3A_760, %mul3A_758 : vector<16xi32>
        %mul3A_762 = arith.muli %mul3A_745, %sub3A_761 : vector<16xi32>
        %mul3A_763 = arith.muli %min3A_753, %sub3A_756 : vector<16xi32>
        %sub3A_764 = arith.subi %mul3A_762, %mul3A_763 : vector<16xi32>
        %add3A_765 = arith.constant 1 : i32
        %add3A_766 = vector.broadcast %add3A_765 : i32 to vector<16xi32>
        %add3A_767 = arith.addi %min3A_753, %add3A_766 : vector<16xi32>
        %add3A_768 = arith.constant 16 : i32
        %add3A_769 = arith.addi %add3A_614, %add3A_768 : i32
        %swap3A_770 = arith.index_cast %add3A_769 : i32 to index
        %swap3A_771 = tpu.vector_load %arg14[%swap3A_770] {strides = array<i32>} : memref<1440xi32, #tpu.memory_space<vmem>>, vector<16xi32>,
        tpu.vector_store %arg14[%swap3A_770], %add3A_767 {strides = array<i32>} : memref<1440xi32, #tpu.memory_space<vmem>>, vector<16xi32>,
        %mul3A_772 = arith.constant 3 : i32
        %mul3A_773 = vector.broadcast %mul3A_772 : i32 to vector<16xi32>
        %mul3A_774 = arith.muli %add3A_767, %mul3A_773 : vector<16xi32>
        %add3A_775 = arith.constant 16 : i32
        %add3A_776 = arith.addi %add3A_614, %add3A_775 : i32
        %swap3A_777 = arith.index_cast %add3A_776 : i32 to index
        %swap3A_778 = tpu.vector_load %arg13[%swap3A_777] {strides = array<i32>} : memref<1440xi32, #tpu.memory_space<vmem>>, vector<16xi32>,
        tpu.vector_store %arg13[%swap3A_777], %mul3A_774 {strides = array<i32>} : memref<1440xi32, #tpu.memory_space<vmem>>, vector<16xi32>,
        %add3A_779 = arith.constant 16 : i32
        %add3A_780 = vector.broadcast %add3A_779 : i32 to vector<16xi32>
        %add3A_781 = arith.addi %add3A_780, %iota3A : vector<16xi32>
        %mul3A_782 = arith.constant 3 : i32
        %mul3A_783 = vector.broadcast %mul3A_782 : i32 to vector<16xi32>
        %mul3A_784 = arith.muli %add3A_781, %mul3A_783 : vector<16xi32>
        %add3A_785 = arith.addi %mul3A_784, %add3A_767 : vector<16xi32>
        %gather3A_786 = tpu.vector_load_idx %arg12[%add3A_785] : memref<240xf32, #tpu.memory_space<vmem>>[vector<16xi32>], vector<16xf32>,
        %add3A_787 = arith.constant 16 : i32
        %add3A_788 = arith.addi %add3A_616, %add3A_787 : i32
        %swap3A_789 = arith.index_cast %add3A_788 : i32 to index
        %swap3A_790 = tpu.vector_load %arg15[%swap3A_789] {strides = array<i32>} : memref<58320xf32, #tpu.memory_space<vmem>>, vector<16xf32>,
        tpu.vector_store %arg15[%swap3A_789], %gather3A_786 {strides = array<i32>} : memref<58320xf32, #tpu.memory_space<vmem>>, vector<16xf32>,
        %mul3A_791 = arith.constant 80 : i32
        %mul3A_792 = arith.muli %add3A_612, %mul3A_791 : i32
        %add3A_793 = arith.constant 32 : i32
        %add3A_794 = arith.addi %mul3A_792, %add3A_793 : i32
        %get3A_795 = arith.index_cast %add3A_794 : i32 to index
        %get3A_796 = tpu.vector_load %arg7[%get3A_795] {strides = array<i32>} : memref<1600xi32, #tpu.memory_space<vmem>>, vector<16xi32>,
        %add3A_797 = arith.constant 1 : i32
        %add3A_798 = arith.addi %add3A_612, %add3A_797 : i32
        %mul3A_799 = arith.constant 80 : i32
        %mul3A_800 = arith.muli %add3A_798, %mul3A_799 : i32
        %add3A_801 = arith.constant 32 : i32
        %add3A_802 = arith.addi %mul3A_800, %add3A_801 : i32
        %get3A_803 = arith.index_cast %add3A_802 : i32 to index
        %get3A_804 = tpu.vector_load %arg7[%get3A_803] {strides = array<i32>} : memref<1600xi32, #tpu.memory_space<vmem>>, vector<16xi32>,
        %add3A_805 = arith.constant 2 : i32
        %add3A_806 = arith.addi %add3A_612, %add3A_805 : i32
        %mul3A_807 = arith.constant 80 : i32
        %mul3A_808 = arith.muli %add3A_806, %mul3A_807 : i32
        %add3A_809 = arith.constant 32 : i32
        %add3A_810 = arith.addi %mul3A_808, %add3A_809 : i32
        %get3A_811 = arith.index_cast %add3A_810 : i32 to index
        %get3A_812 = tpu.vector_load %arg7[%get3A_811] {strides = array<i32>} : memref<1600xi32, #tpu.memory_space<vmem>>, vector<16xi32>,
        %add3A_813 = arith.addi %get3A_796, %get3A_812 : vector<16xi32>
        %mul3A_814 = arith.constant 2 : i32
        %mul3A_815 = vector.broadcast %mul3A_814 : i32 to vector<16xi32>
        %mul3A_816 = arith.muli %mul3A_815, %get3A_796 : vector<16xi32>
        %mul3A_817 = arith.muli %mul3A_816, %get3A_812 : vector<16xi32>
        %sub3A_818 = arith.subi %add3A_813, %mul3A_817 : vector<16xi32>
        %add3A_819 = arith.addi %get3A_796, %get3A_812 : vector<16xi32>
        %sub3A_820 = arith.constant 1 : i32
        %sub3A_821 = vector.broadcast %sub3A_820 : i32 to vector<16xi32>
        %sub3A_822 = arith.subi %sub3A_821, %add3A_819 : vector<16xi32>
        %mul3A_823 = arith.muli %get3A_804, %sub3A_822 : vector<16xi32>
        %mul3A_824 = arith.muli %get3A_796, %get3A_812 : vector<16xi32>
        %add3A_825 = arith.addi %mul3A_823, %mul3A_824 : vector<16xi32>
        %mul3A_826 = arith.constant 2 : i32
        %mul3A_827 = vector.broadcast %mul3A_826 : i32 to vector<16xi32>
        %mul3A_828 = arith.muli %mul3A_827, %add3A_825 : vector<16xi32>
        %sub3A_829 = arith.constant 1 : i32
        %sub3A_830 = vector.broadcast %sub3A_829 : i32 to vector<16xi32>
        %sub3A_831 = arith.subi %sub3A_830, %mul3A_828 : vector<16xi32>
        %mul3A_832 = arith.muli %sub3A_410, %sub3A_831 : vector<16xi32>
        %mul3A_833 = arith.muli %mul3A_832, %sub3A_818 : vector<16xi32>
        %add3A_834 = arith.addi %min3A_399, %mul3A_833 : vector<16xi32>
        %jit3A_835 = arith.constant -1 : i32
        %jit3A_836 = arith.constant 1 : i32
        %max3A_837 = vector.broadcast %jit3A_835 : i32 to vector<16xi32>
        %max3A_838 = arith.maxsi %max3A_837, %add3A_834 : vector<16xi32>
        %min3A_839 = vector.broadcast %jit3A_836 : i32 to vector<16xi32>
        %min3A_840 = arith.minsi %min3A_839, %max3A_838 : vector<16xi32>
        %sub3A_841 = arith.constant 1 : i32
        %sub3A_842 = vector.broadcast %sub3A_841 : i32 to vector<16xi32>
        %sub3A_843 = arith.subi %sub3A_842, %add3A_825 : vector<16xi32>
        %mul3A_844 = arith.muli %min3A_840, %min3A_840 : vector<16xi32>
        %mul3A_845 = arith.muli %mul3A_844, %sub3A_843 : vector<16xi32>
        %sub3A_846 = arith.constant 1 : i32
        %sub3A_847 = vector.broadcast %sub3A_846 : i32 to vector<16xi32>
        %sub3A_848 = arith.subi %sub3A_847, %mul3A_845 : vector<16xi32>
        %mul3A_849 = arith.muli %mul3A_832, %sub3A_848 : vector<16xi32>
        %mul3A_850 = arith.muli %min3A_840, %sub3A_843 : vector<16xi32>
        %sub3A_851 = arith.subi %mul3A_849, %mul3A_850 : vector<16xi32>
        %add3A_852 = arith.constant 1 : i32
        %add3A_853 = vector.broadcast %add3A_852 : i32 to vector<16xi32>
        %add3A_854 = arith.addi %min3A_840, %add3A_853 : vector<16xi32>
        %add3A_855 = arith.constant 32 : i32
        %add3A_856 = arith.addi %add3A_614, %add3A_855 : i32
        %swap3A_857 = arith.index_cast %add3A_856 : i32 to index
        %swap3A_858 = tpu.vector_load %arg14[%swap3A_857] {strides = array<i32>} : memref<1440xi32, #tpu.memory_space<vmem>>, vector<16xi32>,
        tpu.vector_store %arg14[%swap3A_857], %add3A_854 {strides = array<i32>} : memref<1440xi32, #tpu.memory_space<vmem>>, vector<16xi32>,
        %mul3A_859 = arith.constant 3 : i32
        %mul3A_860 = vector.broadcast %mul3A_859 : i32 to vector<16xi32>
        %mul3A_861 = arith.muli %add3A_854, %mul3A_860 : vector<16xi32>
        %add3A_862 = arith.constant 32 : i32
        %add3A_863 = arith.addi %add3A_614, %add3A_862 : i32
        %swap3A_864 = arith.index_cast %add3A_863 : i32 to index
        %swap3A_865 = tpu.vector_load %arg13[%swap3A_864] {strides = array<i32>} : memref<1440xi32, #tpu.memory_space<vmem>>, vector<16xi32>,
        tpu.vector_store %arg13[%swap3A_864], %mul3A_861 {strides = array<i32>} : memref<1440xi32, #tpu.memory_space<vmem>>, vector<16xi32>,
        %add3A_866 = arith.constant 32 : i32
        %add3A_867 = vector.broadcast %add3A_866 : i32 to vector<16xi32>
        %add3A_868 = arith.addi %add3A_867, %iota3A : vector<16xi32>
        %mul3A_869 = arith.constant 3 : i32
        %mul3A_870 = vector.broadcast %mul3A_869 : i32 to vector<16xi32>
        %mul3A_871 = arith.muli %add3A_868, %mul3A_870 : vector<16xi32>
        %add3A_872 = arith.addi %mul3A_871, %add3A_854 : vector<16xi32>
        %gather3A_873 = tpu.vector_load_idx %arg12[%add3A_872] : memref<240xf32, #tpu.memory_space<vmem>>[vector<16xi32>], vector<16xf32>,
        %add3A_874 = arith.constant 32 : i32
        %add3A_875 = arith.addi %add3A_616, %add3A_874 : i32
        %swap3A_876 = arith.index_cast %add3A_875 : i32 to index
        %swap3A_877 = tpu.vector_load %arg15[%swap3A_876] {strides = array<i32>} : memref<58320xf32, #tpu.memory_space<vmem>>, vector<16xf32>,
        tpu.vector_store %arg15[%swap3A_876], %gather3A_873 {strides = array<i32>} : memref<58320xf32, #tpu.memory_space<vmem>>, vector<16xf32>,
        %mul3A_878 = arith.constant 80 : i32
        %mul3A_879 = arith.muli %add3A_612, %mul3A_878 : i32
        %add3A_880 = arith.constant 48 : i32
        %add3A_881 = arith.addi %mul3A_879, %add3A_880 : i32
        %get3A_882 = arith.index_cast %add3A_881 : i32 to index
        %get3A_883 = tpu.vector_load %arg7[%get3A_882] {strides = array<i32>} : memref<1600xi32, #tpu.memory_space<vmem>>, vector<16xi32>,
        %add3A_884 = arith.constant 1 : i32
        %add3A_885 = arith.addi %add3A_612, %add3A_884 : i32
        %mul3A_886 = arith.constant 80 : i32
        %mul3A_887 = arith.muli %add3A_885, %mul3A_886 : i32
        %add3A_888 = arith.constant 48 : i32
        %add3A_889 = arith.addi %mul3A_887, %add3A_888 : i32
        %get3A_890 = arith.index_cast %add3A_889 : i32 to index
        %get3A_891 = tpu.vector_load %arg7[%get3A_890] {strides = array<i32>} : memref<1600xi32, #tpu.memory_space<vmem>>, vector<16xi32>,
        %add3A_892 = arith.constant 2 : i32
        %add3A_893 = arith.addi %add3A_612, %add3A_892 : i32
        %mul3A_894 = arith.constant 80 : i32
        %mul3A_895 = arith.muli %add3A_893, %mul3A_894 : i32
        %add3A_896 = arith.constant 48 : i32
        %add3A_897 = arith.addi %mul3A_895, %add3A_896 : i32
        %get3A_898 = arith.index_cast %add3A_897 : i32 to index
        %get3A_899 = tpu.vector_load %arg7[%get3A_898] {strides = array<i32>} : memref<1600xi32, #tpu.memory_space<vmem>>, vector<16xi32>,
        %add3A_900 = arith.addi %get3A_883, %get3A_899 : vector<16xi32>
        %mul3A_901 = arith.constant 2 : i32
        %mul3A_902 = vector.broadcast %mul3A_901 : i32 to vector<16xi32>
        %mul3A_903 = arith.muli %mul3A_902, %get3A_883 : vector<16xi32>
        %mul3A_904 = arith.muli %mul3A_903, %get3A_899 : vector<16xi32>
        %sub3A_905 = arith.subi %add3A_900, %mul3A_904 : vector<16xi32>
        %add3A_906 = arith.addi %get3A_883, %get3A_899 : vector<16xi32>
        %sub3A_907 = arith.constant 1 : i32
        %sub3A_908 = vector.broadcast %sub3A_907 : i32 to vector<16xi32>
        %sub3A_909 = arith.subi %sub3A_908, %add3A_906 : vector<16xi32>
        %mul3A_910 = arith.muli %get3A_891, %sub3A_909 : vector<16xi32>
        %mul3A_911 = arith.muli %get3A_883, %get3A_899 : vector<16xi32>
        %add3A_912 = arith.addi %mul3A_910, %mul3A_911 : vector<16xi32>
        %mul3A_913 = arith.constant 2 : i32
        %mul3A_914 = vector.broadcast %mul3A_913 : i32 to vector<16xi32>
        %mul3A_915 = arith.muli %mul3A_914, %add3A_912 : vector<16xi32>
        %sub3A_916 = arith.constant 1 : i32
        %sub3A_917 = vector.broadcast %sub3A_916 : i32 to vector<16xi32>
        %sub3A_918 = arith.subi %sub3A_917, %mul3A_915 : vector<16xi32>
        %mul3A_919 = arith.muli %sub3A_497, %sub3A_918 : vector<16xi32>
        %mul3A_920 = arith.muli %mul3A_919, %sub3A_905 : vector<16xi32>
        %add3A_921 = arith.addi %min3A_486, %mul3A_920 : vector<16xi32>
        %jit3A_922 = arith.constant -1 : i32
        %jit3A_923 = arith.constant 1 : i32
        %max3A_924 = vector.broadcast %jit3A_922 : i32 to vector<16xi32>
        %max3A_925 = arith.maxsi %max3A_924, %add3A_921 : vector<16xi32>
        %min3A_926 = vector.broadcast %jit3A_923 : i32 to vector<16xi32>
        %min3A_927 = arith.minsi %min3A_926, %max3A_925 : vector<16xi32>
        %sub3A_928 = arith.constant 1 : i32
        %sub3A_929 = vector.broadcast %sub3A_928 : i32 to vector<16xi32>
        %sub3A_930 = arith.subi %sub3A_929, %add3A_912 : vector<16xi32>
        %mul3A_931 = arith.muli %min3A_927, %min3A_927 : vector<16xi32>
        %mul3A_932 = arith.muli %mul3A_931, %sub3A_930 : vector<16xi32>
        %sub3A_933 = arith.constant 1 : i32
        %sub3A_934 = vector.broadcast %sub3A_933 : i32 to vector<16xi32>
        %sub3A_935 = arith.subi %sub3A_934, %mul3A_932 : vector<16xi32>
        %mul3A_936 = arith.muli %mul3A_919, %sub3A_935 : vector<16xi32>
        %mul3A_937 = arith.muli %min3A_927, %sub3A_930 : vector<16xi32>
        %sub3A_938 = arith.subi %mul3A_936, %mul3A_937 : vector<16xi32>
        %add3A_939 = arith.constant 1 : i32
        %add3A_940 = vector.broadcast %add3A_939 : i32 to vector<16xi32>
        %add3A_941 = arith.addi %min3A_927, %add3A_940 : vector<16xi32>
        %add3A_942 = arith.constant 48 : i32
        %add3A_943 = arith.addi %add3A_614, %add3A_942 : i32
        %swap3A_944 = arith.index_cast %add3A_943 : i32 to index
        %swap3A_945 = tpu.vector_load %arg14[%swap3A_944] {strides = array<i32>} : memref<1440xi32, #tpu.memory_space<vmem>>, vector<16xi32>,
        tpu.vector_store %arg14[%swap3A_944], %add3A_941 {strides = array<i32>} : memref<1440xi32, #tpu.memory_space<vmem>>, vector<16xi32>,
        %mul3A_946 = arith.constant 3 : i32
        %mul3A_947 = vector.broadcast %mul3A_946 : i32 to vector<16xi32>
        %mul3A_948 = arith.muli %add3A_941, %mul3A_947 : vector<16xi32>
        %add3A_949 = arith.constant 48 : i32
        %add3A_950 = arith.addi %add3A_614, %add3A_949 : i32
        %swap3A_951 = arith.index_cast %add3A_950 : i32 to index
        %swap3A_952 = tpu.vector_load %arg13[%swap3A_951] {strides = array<i32>} : memref<1440xi32, #tpu.memory_space<vmem>>, vector<16xi32>,
        tpu.vector_store %arg13[%swap3A_951], %mul3A_948 {strides = array<i32>} : memref<1440xi32, #tpu.memory_space<vmem>>, vector<16xi32>,
        %add3A_953 = arith.constant 48 : i32
        %add3A_954 = vector.broadcast %add3A_953 : i32 to vector<16xi32>
        %add3A_955 = arith.addi %add3A_954, %iota3A : vector<16xi32>
        %mul3A_956 = arith.constant 3 : i32
        %mul3A_957 = vector.broadcast %mul3A_956 : i32 to vector<16xi32>
        %mul3A_958 = arith.muli %add3A_955, %mul3A_957 : vector<16xi32>
        %add3A_959 = arith.addi %mul3A_958, %add3A_941 : vector<16xi32>
        %gather3A_960 = tpu.vector_load_idx %arg12[%add3A_959] : memref<240xf32, #tpu.memory_space<vmem>>[vector<16xi32>], vector<16xf32>,
        %add3A_961 = arith.constant 48 : i32
        %add3A_962 = arith.addi %add3A_616, %add3A_961 : i32
        %swap3A_963 = arith.index_cast %add3A_962 : i32 to index
        %swap3A_964 = tpu.vector_load %arg15[%swap3A_963] {strides = array<i32>} : memref<58320xf32, #tpu.memory_space<vmem>>, vector<16xf32>,
        tpu.vector_store %arg15[%swap3A_963], %gather3A_960 {strides = array<i32>} : memref<58320xf32, #tpu.memory_space<vmem>>, vector<16xf32>,
        %mul3A_965 = arith.constant 80 : i32
        %mul3A_966 = arith.muli %add3A_612, %mul3A_965 : i32
        %add3A_967 = arith.constant 64 : i32
        %add3A_968 = arith.addi %mul3A_966, %add3A_967 : i32
        %get3A_969 = arith.index_cast %add3A_968 : i32 to index
        %get3A_970 = tpu.vector_load %arg7[%get3A_969] {strides = array<i32>} : memref<1600xi32, #tpu.memory_space<vmem>>, vector<16xi32>,
        %add3A_971 = arith.constant 1 : i32
        %add3A_972 = arith.addi %add3A_612, %add3A_971 : i32
        %mul3A_973 = arith.constant 80 : i32
        %mul3A_974 = arith.muli %add3A_972, %mul3A_973 : i32
        %add3A_975 = arith.constant 64 : i32
        %add3A_976 = arith.addi %mul3A_974, %add3A_975 : i32
        %get3A_977 = arith.index_cast %add3A_976 : i32 to index
        %get3A_978 = tpu.vector_load %arg7[%get3A_977] {strides = array<i32>} : memref<1600xi32, #tpu.memory_space<vmem>>, vector<16xi32>,
        %add3A_979 = arith.constant 2 : i32
        %add3A_980 = arith.addi %add3A_612, %add3A_979 : i32
        %mul3A_981 = arith.constant 80 : i32
        %mul3A_982 = arith.muli %add3A_980, %mul3A_981 : i32
        %add3A_983 = arith.constant 64 : i32
        %add3A_984 = arith.addi %mul3A_982, %add3A_983 : i32
        %get3A_985 = arith.index_cast %add3A_984 : i32 to index
        %get3A_986 = tpu.vector_load %arg7[%get3A_985] {strides = array<i32>} : memref<1600xi32, #tpu.memory_space<vmem>>, vector<16xi32>,
        %add3A_987 = arith.addi %get3A_970, %get3A_986 : vector<16xi32>
        %mul3A_988 = arith.constant 2 : i32
        %mul3A_989 = vector.broadcast %mul3A_988 : i32 to vector<16xi32>
        %mul3A_990 = arith.muli %mul3A_989, %get3A_970 : vector<16xi32>
        %mul3A_991 = arith.muli %mul3A_990, %get3A_986 : vector<16xi32>
        %sub3A_992 = arith.subi %add3A_987, %mul3A_991 : vector<16xi32>
        %add3A_993 = arith.addi %get3A_970, %get3A_986 : vector<16xi32>
        %sub3A_994 = arith.constant 1 : i32
        %sub3A_995 = vector.broadcast %sub3A_994 : i32 to vector<16xi32>
        %sub3A_996 = arith.subi %sub3A_995, %add3A_993 : vector<16xi32>
        %mul3A_997 = arith.muli %get3A_978, %sub3A_996 : vector<16xi32>
        %mul3A_998 = arith.muli %get3A_970, %get3A_986 : vector<16xi32>
        %add3A_999 = arith.addi %mul3A_997, %mul3A_998 : vector<16xi32>
        %mul3A_1000 = arith.constant 2 : i32
        %mul3A_1001 = vector.broadcast %mul3A_1000 : i32 to vector<16xi32>
        %mul3A_1002 = arith.muli %mul3A_1001, %add3A_999 : vector<16xi32>
        %sub3A_1003 = arith.constant 1 : i32
        %sub3A_1004 = vector.broadcast %sub3A_1003 : i32 to vector<16xi32>
        %sub3A_1005 = arith.subi %sub3A_1004, %mul3A_1002 : vector<16xi32>
        %mul3A_1006 = arith.muli %sub3A_584, %sub3A_1005 : vector<16xi32>
        %mul3A_1007 = arith.muli %mul3A_1006, %sub3A_992 : vector<16xi32>
        %add3A_1008 = arith.addi %min3A_573, %mul3A_1007 : vector<16xi32>
        %jit3A_1009 = arith.constant -1 : i32
        %jit3A_1010 = arith.constant 1 : i32
        %max3A_1011 = vector.broadcast %jit3A_1009 : i32 to vector<16xi32>
        %max3A_1012 = arith.maxsi %max3A_1011, %add3A_1008 : vector<16xi32>
        %min3A_1013 = vector.broadcast %jit3A_1010 : i32 to vector<16xi32>
        %min3A_1014 = arith.minsi %min3A_1013, %max3A_1012 : vector<16xi32>
        %sub3A_1015 = arith.constant 1 : i32
        %sub3A_1016 = vector.broadcast %sub3A_1015 : i32 to vector<16xi32>
        %sub3A_1017 = arith.subi %sub3A_1016, %add3A_999 : vector<16xi32>
        %mul3A_1018 = arith.muli %min3A_1014, %min3A_1014 : vector<16xi32>
        %mul3A_1019 = arith.muli %mul3A_1018, %sub3A_1017 : vector<16xi32>
        %sub3A_1020 = arith.constant 1 : i32
        %sub3A_1021 = vector.broadcast %sub3A_1020 : i32 to vector<16xi32>
        %sub3A_1022 = arith.subi %sub3A_1021, %mul3A_1019 : vector<16xi32>
        %mul3A_1023 = arith.muli %mul3A_1006, %sub3A_1022 : vector<16xi32>
        %mul3A_1024 = arith.muli %min3A_1014, %sub3A_1017 : vector<16xi32>
        %sub3A_1025 = arith.subi %mul3A_1023, %mul3A_1024 : vector<16xi32>
        %add3A_1026 = arith.constant 1 : i32
        %add3A_1027 = vector.broadcast %add3A_1026 : i32 to vector<16xi32>
        %add3A_1028 = arith.addi %min3A_1014, %add3A_1027 : vector<16xi32>
        %add3A_1029 = arith.constant 64 : i32
        %add3A_1030 = arith.addi %add3A_614, %add3A_1029 : i32
        %swap3A_1031 = arith.index_cast %add3A_1030 : i32 to index
        %swap3A_1032 = tpu.vector_load %arg14[%swap3A_1031] {strides = array<i32>} : memref<1440xi32, #tpu.memory_space<vmem>>, vector<16xi32>,
        tpu.vector_store %arg14[%swap3A_1031], %add3A_1028 {strides = array<i32>} : memref<1440xi32, #tpu.memory_space<vmem>>, vector<16xi32>,
        %mul3A_1033 = arith.constant 3 : i32
        %mul3A_1034 = vector.broadcast %mul3A_1033 : i32 to vector<16xi32>
        %mul3A_1035 = arith.muli %add3A_1028, %mul3A_1034 : vector<16xi32>
        %add3A_1036 = arith.constant 64 : i32
        %add3A_1037 = arith.addi %add3A_614, %add3A_1036 : i32
        %swap3A_1038 = arith.index_cast %add3A_1037 : i32 to index
        %swap3A_1039 = tpu.vector_load %arg13[%swap3A_1038] {strides = array<i32>} : memref<1440xi32, #tpu.memory_space<vmem>>, vector<16xi32>,
        tpu.vector_store %arg13[%swap3A_1038], %mul3A_1035 {strides = array<i32>} : memref<1440xi32, #tpu.memory_space<vmem>>, vector<16xi32>,
        %add3A_1040 = arith.constant 64 : i32
        %add3A_1041 = vector.broadcast %add3A_1040 : i32 to vector<16xi32>
        %add3A_1042 = arith.addi %add3A_1041, %iota3A : vector<16xi32>
        %mul3A_1043 = arith.constant 3 : i32
        %mul3A_1044 = vector.broadcast %mul3A_1043 : i32 to vector<16xi32>
        %mul3A_1045 = arith.muli %add3A_1042, %mul3A_1044 : vector<16xi32>
        %add3A_1046 = arith.addi %mul3A_1045, %add3A_1028 : vector<16xi32>
        %gather3A_1047 = tpu.vector_load_idx %arg12[%add3A_1046] : memref<240xf32, #tpu.memory_space<vmem>>[vector<16xi32>], vector<16xf32>,
        %add3A_1048 = arith.constant 64 : i32
        %add3A_1049 = arith.addi %add3A_616, %add3A_1048 : i32
        %swap3A_1050 = arith.index_cast %add3A_1049 : i32 to index
        %swap3A_1051 = tpu.vector_load %arg15[%swap3A_1050] {strides = array<i32>} : memref<58320xf32, #tpu.memory_space<vmem>>, vector<16xf32>,
        tpu.vector_store %arg15[%swap3A_1050], %gather3A_1047 {strides = array<i32>} : memref<58320xf32, #tpu.memory_space<vmem>>, vector<16xf32>,
        %add3A_1052 = arith.constant 80 : i32
        %add3A_1053 = arith.addi %mul3A_181, %add3A_1052 : i32
        %parallel_loop3A = arith.constant 0 : i32
        %parallel_loop3A_1054 = arith.constant 3152 : i32
        %parallel_loop3A_1055 = arith.constant 16 : i32
        scf.for %parallel_loop3A_1100 = %parallel_loop3A to %parallel_loop3A_1054 step %parallel_loop3A_1055  : i32 {
          %parallel_loop3A_1101 = arith.constant 0 : i32
          %parallel_loop3A_1102 = arith.index_cast %parallel_loop3A_1101 : i32 to index
          %parallel_loop3A_1103 = arith.index_cast %parallel_loop3A_1100 : i32 to index
          %parallel_loop3A_1104 = tpu.vector_load %arg8[%parallel_loop3A_1102, %parallel_loop3A_1103] {strides = array<i32>} : memref<1x3168xi32, #tpu.memory_space<vmem>>, vector<16xi32>,
          %parallel_loop3A_1105 = arith.constant 7 : i32
          %parallel_loop3A_1106 = vector.broadcast %parallel_loop3A_1105 : i32 to vector<16xi32>
          %parallel_loop3A_1107 = arith.shrsi %parallel_loop3A_1104, %parallel_loop3A_1106 : vector<16xi32>
          %parallel_loop3A_1108 = vector.broadcast %mul3A_179 : i32 to vector<16xi32>
          %parallel_loop3A_1109 = arith.addi %parallel_loop3A_1107, %parallel_loop3A_1108 : vector<16xi32>
          %parallel_loop3A_1110 = arith.constant 127 : i32
          %parallel_loop3A_1111 = vector.broadcast %parallel_loop3A_1110 : i32 to vector<16xi32>
          %parallel_loop3A_1112 = arith.andi %parallel_loop3A_1104, %parallel_loop3A_1111 : vector<16xi32>
          %parallel_loop3A_1113 = vector.broadcast %mul3A_179 : i32 to vector<16xi32>
          %parallel_loop3A_1114 = arith.addi %parallel_loop3A_1112, %parallel_loop3A_1113 : vector<16xi32>
          %parallel_loop3A_1115 = vector.broadcast %parallel_loop3A_1100 : i32 to vector<16xi32>
          %parallel_loop3A_1116 = arith.addi %parallel_loop3A_1115, %iota3A : vector<16xi32>
          %parallel_loop3A_1117 = arith.constant 9 : i32
          %parallel_loop3A_1118 = vector.broadcast %parallel_loop3A_1117 : i32 to vector<16xi32>
          %parallel_loop3A_1119 = arith.muli %parallel_loop3A_1116, %parallel_loop3A_1118 : vector<16xi32>
          %parallel_loop3A_1120 = tpu.vector_load_idx %arg13[%parallel_loop3A_1109] : memref<1440xi32, #tpu.memory_space<vmem>>[vector<16xi32>], vector<16xi32>,
          %parallel_loop3A_1121 = tpu.vector_load_idx %arg14[%parallel_loop3A_1114] : memref<1440xi32, #tpu.memory_space<vmem>>[vector<16xi32>], vector<16xi32>,
          %parallel_loop3A_1122 = arith.addi %parallel_loop3A_1119, %parallel_loop3A_1120 : vector<16xi32>
          %parallel_loop3A_1123 = arith.addi %parallel_loop3A_1122, %parallel_loop3A_1121 : vector<16xi32>
          %parallel_loop3A_1124 = tpu.vector_load_idx %arg11[%parallel_loop3A_1123] : memref<28512xf32, #tpu.memory_space<vmem>>[vector<16xi32>], vector<16xf32>,
          %parallel_loop3A_1125 = arith.addi %add3A_1053, %parallel_loop3A_1100 : i32
          %parallel_loop3A_1126 = arith.index_cast %parallel_loop3A_1125 : i32 to index
          %parallel_loop3A_1127 = tpu.vector_load %arg15[%parallel_loop3A_1126] {strides = array<i32>} : memref<58320xf32, #tpu.memory_space<vmem>>, vector<16xf32>,
          tpu.vector_store %arg15[%parallel_loop3A_1126], %parallel_loop3A_1124 {strides = array<i32>} : memref<58320xf32, #tpu.memory_space<vmem>>, vector<16xf32>,
          %parallel_loop3A_1128 = arith.constant 80 : i32
          %parallel_loop3A_1129 = vector.broadcast %parallel_loop3A_1128 : i32 to vector<16xi32>
          %parallel_loop3A_1130 = arith.addi %parallel_loop3A_1109, %parallel_loop3A_1129 : vector<16xi32>
          %parallel_loop3A_1131 = tpu.vector_load_idx %arg13[%parallel_loop3A_1130] : memref<1440xi32, #tpu.memory_space<vmem>>[vector<16xi32>], vector<16xi32>,
          %parallel_loop3A_1132 = arith.constant 80 : i32
          %parallel_loop3A_1133 = vector.broadcast %parallel_loop3A_1132 : i32 to vector<16xi32>
          %parallel_loop3A_1134 = arith.addi %parallel_loop3A_1114, %parallel_loop3A_1133 : vector<16xi32>
          %parallel_loop3A_1135 = tpu.vector_load_idx %arg14[%parallel_loop3A_1134] : memref<1440xi32, #tpu.memory_space<vmem>>[vector<16xi32>], vector<16xi32>,
          %parallel_loop3A_1136 = arith.addi %parallel_loop3A_1119, %parallel_loop3A_1131 : vector<16xi32>
          %parallel_loop3A_1137 = arith.addi %parallel_loop3A_1136, %parallel_loop3A_1135 : vector<16xi32>
          %parallel_loop3A_1138 = tpu.vector_load_idx %arg11[%parallel_loop3A_1137] : memref<28512xf32, #tpu.memory_space<vmem>>[vector<16xi32>], vector<16xf32>,
          %parallel_loop3A_1139 = arith.constant 3240 : i32
          %parallel_loop3A_1140 = arith.addi %add3A_1053, %parallel_loop3A_1139 : i32
          %parallel_loop3A_1141 = arith.addi %parallel_loop3A_1140, %parallel_loop3A_1100 : i32
          %parallel_loop3A_1142 = arith.index_cast %parallel_loop3A_1141 : i32 to index
          %parallel_loop3A_1143 = tpu.vector_load %arg15[%parallel_loop3A_1142] {strides = array<i32>} : memref<58320xf32, #tpu.memory_space<vmem>>, vector<16xf32>,
          tpu.vector_store %arg15[%parallel_loop3A_1142], %parallel_loop3A_1138 {strides = array<i32>} : memref<58320xf32, #tpu.memory_space<vmem>>, vector<16xf32>,
        } {sc.loop_unroll_factor = 8 : i64, sc.parallel_access}
        %get3A_1056 = arith.constant 0 : i32
        %get3A_1057 = arith.index_cast %get3A_1056 : i32 to index
        %get3A_1058 = arith.constant 3144 : index
        %get3A_1059 = tpu.vector_load %arg8[%get3A_1057, %get3A_1058] {strides = array<i32>} : memref<1x3168xi32, #tpu.memory_space<vmem>>, vector<16xi32>,
        %shift_right_arithmetic3A = arith.constant 7 : i32
        %shift_right_arithmetic3A_1060 = vector.broadcast %shift_right_arithmetic3A : i32 to vector<16xi32>
        %shift_right_arithmetic3A_1061 = arith.shrsi %get3A_1059, %shift_right_arithmetic3A_1060 : vector<16xi32>
        %add3A_1062 = vector.broadcast %mul3A_179 : i32 to vector<16xi32>
        %add3A_1063 = arith.addi %shift_right_arithmetic3A_1061, %add3A_1062 : vector<16xi32>
        %and3A = arith.constant 127 : i32
        %and3A_1064 = vector.broadcast %and3A : i32 to vector<16xi32>
        %and3A_1065 = arith.andi %get3A_1059, %and3A_1064 : vector<16xi32>
        %add3A_1066 = vector.broadcast %mul3A_179 : i32 to vector<16xi32>
        %add3A_1067 = arith.addi %and3A_1065, %add3A_1066 : vector<16xi32>
        %add3A_1068 = arith.constant 3144 : i32
        %add3A_1069 = vector.broadcast %add3A_1068 : i32 to vector<16xi32>
        %add3A_1070 = arith.addi %add3A_1069, %iota3A : vector<16xi32>
        %mul3A_1071 = arith.constant 9 : i32
        %mul3A_1072 = vector.broadcast %mul3A_1071 : i32 to vector<16xi32>
        %mul3A_1073 = arith.muli %add3A_1070, %mul3A_1072 : vector<16xi32>
        %gather3A_1074 = tpu.vector_load_idx %arg13[%add3A_1063] : memref<1440xi32, #tpu.memory_space<vmem>>[vector<16xi32>], vector<16xi32>,
        %gather3A_1075 = tpu.vector_load_idx %arg14[%add3A_1067] : memref<1440xi32, #tpu.memory_space<vmem>>[vector<16xi32>], vector<16xi32>,
        %add3A_1076 = arith.addi %mul3A_1073, %gather3A_1074 : vector<16xi32>
        %add3A_1077 = arith.addi %add3A_1076, %gather3A_1075 : vector<16xi32>
        %gather3A_1078 = tpu.vector_load_idx %arg11[%add3A_1077] : memref<28512xf32, #tpu.memory_space<vmem>>[vector<16xi32>], vector<16xf32>,
        %add3A_1079 = arith.constant 3144 : i32
        %add3A_1080 = arith.addi %add3A_1053, %add3A_1079 : i32
        %swap3A_1081 = arith.index_cast %add3A_1080 : i32 to index
        %swap3A_1082 = tpu.vector_load %arg15[%swap3A_1081] {strides = array<i32>} : memref<58320xf32, #tpu.memory_space<vmem>>, vector<16xf32>,
        tpu.vector_store %arg15[%swap3A_1081], %gather3A_1078 {strides = array<i32>} : memref<58320xf32, #tpu.memory_space<vmem>>, vector<16xf32>,
        %add3A_1083 = arith.constant 80 : i32
        %add3A_1084 = vector.broadcast %add3A_1083 : i32 to vector<16xi32>
        %add3A_1085 = arith.addi %add3A_1063, %add3A_1084 : vector<16xi32>
        %gather3A_1086 = tpu.vector_load_idx %arg13[%add3A_1085] : memref<1440xi32, #tpu.memory_space<vmem>>[vector<16xi32>], vector<16xi32>,
        %add3A_1087 = arith.constant 80 : i32
        %add3A_1088 = vector.broadcast %add3A_1087 : i32 to vector<16xi32>
        %add3A_1089 = arith.addi %add3A_1067, %add3A_1088 : vector<16xi32>
        %gather3A_1090 = tpu.vector_load_idx %arg14[%add3A_1089] : memref<1440xi32, #tpu.memory_space<vmem>>[vector<16xi32>], vector<16xi32>,
        %add3A_1091 = arith.addi %mul3A_1073, %gather3A_1086 : vector<16xi32>
        %add3A_1092 = arith.addi %add3A_1091, %gather3A_1090 : vector<16xi32>
        %gather3A_1093 = tpu.vector_load_idx %arg11[%add3A_1092] : memref<28512xf32, #tpu.memory_space<vmem>>[vector<16xi32>], vector<16xf32>,
        %add3A_1094 = arith.constant 3240 : i32
        %add3A_1095 = arith.addi %add3A_1053, %add3A_1094 : i32
        %add3A_1096 = arith.constant 3144 : i32
        %add3A_1097 = arith.addi %add3A_1095, %add3A_1096 : i32
        %swap3A_1098 = arith.index_cast %add3A_1097 : i32 to index
        %swap3A_1099 = tpu.vector_load %arg15[%swap3A_1098] {strides = array<i32>} : memref<58320xf32, #tpu.memory_space<vmem>>, vector<16xf32>,
        tpu.vector_store %arg15[%swap3A_1098], %gather3A_1093 {strides = array<i32>} : memref<58320xf32, #tpu.memory_space<vmem>>, vector<16xf32>,
        scf.yield %min3A_666, %min3A_753, %min3A_840, %min3A_927, %min3A_1014, %sub3A_677, %sub3A_764, %sub3A_851, %sub3A_938, %sub3A_1025 : vector<16xi32>, vector<16xi32>, vector<16xi32>, vector<16xi32>, vector<16xi32>, vector<16xi32>, vector<16xi32>, vector<16xi32>, vector<16xi32>, vector<16xi32>
      }
      %scan3A_163 = arith.constant 9 : i32
      "tpu.region"() ({
        %run_scoped3A = tpu.sem_alloc : memref<!tpu.dma_semaphore, #tpu.memory_space<semaphore_mem>>
        %dma_start3A = arith.constant 0 : i32
        %dma_start3A_165 = tpu.memref_slice %arg6[%add3A_137, %dma_start3A] : memref<256x58320xf32, #tpu.memory_space<hbm>> -> memref<1x58320xf32, #tpu.memory_space<hbm>>
        %dma_start3A_166 = tpu.memref_squeeze %dma_start3A_165 : memref<1x58320xf32, #tpu.memory_space<hbm>> -> memref<58320xf32, #tpu.memory_space<hbm>>
        %dma_start3A_167 = arith.constant 0 : i32
        %dma_start3A_168 = tpu.memref_slice %arg6[%add3A_137, %dma_start3A_167] : memref<256x58320xf32, #tpu.memory_space<hbm>> -> memref<1x58320xf32, #tpu.memory_space<hbm>>
        %dma_start3A_169 = tpu.memref_squeeze %dma_start3A_168 : memref<1x58320xf32, #tpu.memory_space<hbm>> -> memref<58320xf32, #tpu.memory_space<hbm>>
        tpu.enqueue_dma source(%arg15 : memref<58320xf32, #tpu.memory_space<vmem>>) target(%dma_start3A_169 : memref<58320xf32, #tpu.memory_space<hbm>>) target_semaphore(%run_scoped3A : memref<!tpu.dma_semaphore, #tpu.memory_space<semaphore_mem>>)
        %dma_wait3A = arith.constant 0 : i32
        %dma_wait3A_170 = tpu.memref_slice %arg6[%add3A_137, %dma_wait3A] : memref<256x58320xf32, #tpu.memory_space<hbm>> -> memref<1x58320xf32, #tpu.memory_space<hbm>>
        %dma_wait3A_171 = tpu.memref_squeeze %dma_wait3A_170 : memref<1x58320xf32, #tpu.memory_space<hbm>> -> memref<58320xf32, #tpu.memory_space<hbm>>
        %dma_wait3A_172 = arith.constant 0 : i32
        %dma_wait3A_173 = tpu.memref_slice %arg6[%add3A_137, %dma_wait3A_172] : memref<256x58320xf32, #tpu.memory_space<hbm>> -> memref<1x58320xf32, #tpu.memory_space<hbm>>
        %dma_wait3A_174 = tpu.memref_squeeze %dma_wait3A_173 : memref<1x58320xf32, #tpu.memory_space<hbm>> -> memref<58320xf32, #tpu.memory_space<hbm>>
        tpu.wait_dma2 semaphore(%run_scoped3A : memref<!tpu.dma_semaphore, #tpu.memory_space<semaphore_mem>>) src(%arg15 : memref<58320xf32, #tpu.memory_space<vmem>>) dst(%dma_wait3A_174 : memref<58320xf32, #tpu.memory_space<hbm>>)
        tpu.yield
      }) : () -> ()
      %scan3A_164 = arith.constant 0 : i32
      scf.yield %scan3A_164 : i32
    }
    %scan3A_132 = arith.constant 8 : i32
    return
  }
}

</mosaic_0001>

<sc_bundles>
// kernel: kernel.3.cloned.1.call-start
scs
__scs_entry_jumppad:
0x0: {  	(pc) =	sbr.rel $0x88, $3  }
0x1: {  	(tag) =	ssettag $0x0;
	lr =	simm.s32 $0x1  }
0x2: {  	[smem:$0x3F9E] =	sst lr;
	_ =	strace $0xD0000000  }
0x3: {  	_ = 	snop  }
0x4: {  	_ = 	snop  }
0x5: {  	_ = 	snop  }
0x6: {  	_ = 	snop  }
0x7: {  	_ = 	snop  }
__scs_overlays_trampoline_lowered:
0x8: {  	[smem:$0x3FAD] =	sst s0  }
0x9: {  	[smem:$0x3FAE] =	sst s1  }
0xa: {  	[smem:$0x3FAF] =	sst s2  }
0xb: {  	[smem:$0x3FB0] =	sst s3  }
0xc: {  	[smem:$0x3FB1] =	sst s4  }
0xd: {  	[smem:$0x3FB2] =	sst s5  }
0xe: {  	[smem:$0x3FB3] =	sst s6  }
0xf: {  	[smem:$0x3FB4] =	sst s7  }
0x10: {  	[smem:$0x3FB5] =	sst s8  }
0x11: {  	[smem:$0x3FB6] =	sst s9;
	s0 =	simm.s32 @!p0 $0x0  }
0x12: {  	s1 =	sld [smem:$0x3F9C];
	s0 =	simm.s32 @p0 $0x1  }
0x13: {  	[smem:$0x3FB7] =	sst s0;
	s0 =	simm.s32 @!p1 $0x0  }
0x14: {  	s2 =	sld [smem:$0x3F9B];
	s0 =	simm.s32 @p1 $0x1  }
0x15: {  	[smem:$0x3FB8] =	sst s0;
	s0 =	simm.s32 @!p2 $0x0  }
0x16: {  	s3 =	sld [smem:$0x3FDB];
	s0 =	simm.s32 @p2 $0x1  }
0x17: {  	s4 =	simm.s32 $0x1BF5;
	[smem:$0x3FBA] =	sst s0  }
0x18: {  	s0 =	sld [smem:$0x3F9D];
	_ =	swait.ge [sflag:s4], $0x0  }
0x19: {  	s7 =	sld [smem:$0x3F9E]  }
0x1a: {  	s8 =	sadd.s32 $0xFFFFE003, lr  }
0x1b: {  	s9 =	sadd.s32 $0xFFFFFEF7, lr;
	s5 =	simm.s32 $0xFFFFFFFF;
	p2 =	slt.u32 s8, $0xFFFFF086  }
0x1c: {  	p1 =	slt.u32 s9, $0xF7A;
	s5 =	simm.s32 @!p2 $0x0  }
0x1d: {  	s5 =	simm.s32 @p1 $0x1;
	p0 =	seq.s32 s7, s2  }
0x1e: {  	s7 =	smul.u32 @!p0 $0xF7A, s2;
	p2 =	seq.s32 @!p0 s5, $0x0  }
0x1f: {  	s9 =	smul.u32 $0xF7A, s1;
	s8 =	simm.s32 @!p0 $0x1BF5;
	p2 =	por !p2, p0  }
0x20: {  	[sflag:s8] =	ssyncset.s32 @!p0 $0xFFFFF086;
	s6 =	sadd.s32 @!p0 s3, s7;
	s7 =	simm.s32 @!p0 $0x108  }
0x21: {  	s3 =	sadd.s32 s3, s9;
	s6 =	sadd.s32 @!p0 $0x88, s6;
	s7 =	simm.s32 @p2 $0x1082  }
0x22: {  	[simem:s7], [sflag:s8] =	dma.local @!p0 [hbm:s6], $0xF7A  }
0x23: {  	s9 =	sor.u32 $0xD0000000, s2;
	s6 =	simm.s32 $0x108;
	_ =	swait.ge @!p0 [sflag:s8], $0x0  }
0x24: {  	s3 =	sadd.s32 $0x88, s3;
	s6 =	simm.s32 @!p1 $0x1082;
	[sflag:s4] =	ssyncset.s32 $0xFFFFF086  }
0x25: {  	[simem:s6], [sflag:s4] =	dma.local [hbm:s3], $0xF7A  }
0x26: {  	[smem:$0x3F9E] =	sst s1;
	(tag) =	ssettag s2;
	_ =	strace s9  }
0x27: {  	s1 =	sld [smem:$0x3FAE]  }
0x28: {  	s2 =	sld [smem:$0x3FAF]  }
0x29: {  	s4 =	sld [smem:$0x3FB1]  }
0x2a: {  	p0 =	seq.s32 s5, $0x0;
	s5 =	sld [smem:$0x3FB2]  }
0x2b: {  	s6 =	sld [smem:$0x3FB3]  }
0x2c: {  	s7 =	sld [smem:$0x3FB4]  }
0x2d: {  	s3 =	simm.s32 $0x108;
	s8 =	sld [smem:$0x3FB5]  }
0x2e: {  	s3 =	simm.s32 @!p0 $0x1082;
	s9 =	sld [smem:$0x3FB6]  }
0x2f: {  	lr =	sadd.s32 s0, s3;
	s0 =	sld [smem:$0x3FAD]  }
0x30: {  	s3 =	sld [smem:$0x3FB0]  }
0x31: {  	[smem:$0x3FB9] =	sst s10  }
0x32: {  	s10 =	sld [smem:$0x3FB7];
	_ =	sdelay $0x3  }
0x33: {  	p0 =	seq.s32 s10, $0x1;
	s10 =	sld [smem:$0x3FB9];
	_ =	sdelay $0x3  }
0x34: {  	[smem:$0x3FB9] =	sst s10  }
0x35: {  	s10 =	sld [smem:$0x3FB8];
	_ =	sdelay $0x3  }
0x36: {  	p1 =	seq.s32 s10, $0x1;
	s10 =	sld [smem:$0x3FB9];
	_ =	sdelay $0x3  }
0x37: {  	[smem:$0x3FB9] =	sst s10  }
0x38: {  	s10 =	sld [smem:$0x3FBA]  }
0x39: {  	_ = 	snop;
	(pc) =	sbr.ind lr, $3  }
0x3a: {  	_ = 	snop  }
0x3b: {  	_ = 	snop  }
0x3c: {  	p2 =	seq.s32 s10, $0x1;
	s10 =	sld [smem:$0x3FB9]  }
0x3d: {  	_ =	shalt  }
0x3e: {  	_ =	shalt  }
0x3f: {  	_ =	shalt  }
0x40: {  	_ =	shalt  }
0x41: {  	_ =	shalt  }
0x42: {  	_ =	shalt  }
0x43: {  	_ =	shalt  }
0x44: {  	_ =	shalt  }
0x45: {  	_ =	shalt  }
0x46: {  	_ =	shalt  }
0x47: {  	_ =	shalt  }
0x48: {  	_ =	shalt  }
0x49: {  	_ =	shalt  }
0x4a: {  	_ =	shalt  }
0x4b: {  	_ =	shalt  }
0x4c: {  	_ =	shalt  }
0x4d: {  	_ =	shalt  }
0x4e: {  	_ =	shalt  }
0x4f: {  	_ =	shalt  }
0x50: {  	_ =	shalt  }
0x51: {  	_ =	shalt  }
0x52: {  	_ =	shalt  }
0x53: {  	_ =	shalt  }
0x54: {  	_ =	shalt  }
0x55: {  	_ =	shalt  }
0x56: {  	_ =	shalt  }
0x57: {  	_ =	shalt  }
0x58: {  	_ =	shalt  }
0x59: {  	_ =	shalt  }
0x5a: {  	_ =	shalt  }
0x5b: {  	_ =	shalt  }
0x5c: {  	_ =	shalt  }
0x5d: {  	_ =	shalt  }
0x5e: {  	_ =	shalt  }
0x5f: {  	_ =	shalt  }
0x60: {  	_ =	shalt  }
0x61: {  	_ =	shalt  }
0x62: {  	_ =	shalt  }
0x63: {  	_ =	shalt  }
0x64: {  	_ =	shalt  }
0x65: {  	_ =	shalt  }
0x66: {  	_ =	shalt  }
0x67: {  	_ =	shalt  }
0x68: {  	_ =	shalt  }
0x69: {  	_ =	shalt  }
0x6a: {  	_ =	shalt  }
0x6b: {  	_ =	shalt  }
0x6c: {  	_ =	shalt  }
0x6d: {  	_ =	shalt  }
0x6e: {  	_ =	shalt  }
0x6f: {  	_ =	shalt  }
0x70: {  	_ =	shalt  }
0x71: {  	_ =	shalt  }
0x72: {  	_ =	shalt  }
0x73: {  	_ =	shalt  }
0x74: {  	_ =	shalt  }
0x75: {  	_ =	shalt  }
0x76: {  	_ =	shalt  }
0x77: {  	_ =	shalt  }
0x78: {  	_ =	shalt  }
0x79: {  	_ =	shalt  }
0x7a: {  	_ =	shalt  }
0x7b: {  	_ =	shalt  }
0x7c: {  	_ =	shalt  }
0x7d: {  	_ =	shalt  }
0x7e: {  	_ =	shalt  }
0x7f: {  	_ =	shalt  }
0x80: {  	_ =	shalt  }
0x81: {  	_ =	shalt  }
0x82: {  	_ =	shalt  }
0x83: {  	_ =	shalt  }
0x84: {  	_ =	shalt  }
0x85: {  	_ =	shalt  }
0x86: {  	_ =	shalt  }
0x87: {  	_ =	shalt  }
.Lfunc_end0:
.L_simem_size_0:
called_computation_lowered:
.L_overlay_start_0:
0x88: {  	s2 =	sld [smem:$0x3FD9]  }
0x89: {  	s3 =	sld [smem:$0x3FFE];
	_ =	sdelay $0x1  }
0x8a: {  	s1 =	srdreg.scid  }
0x8b: {  	s0 =	sand.u32 $0x1, s1  }
0x8c: {  	s17 =	sshll.u32 s0, $0xA;
	s2 =	sadd.s32 s3, s2  }
0x8d: {  	s2 =	sadd.s32 s2, s17  }
0x8e: {  	[smem:$0x3FC5] =	sst s2  }
0x8f: {  	_ = 	snop  }
0x90: {  	s2 =	sld [smem:$0x3FC8]  }
0x91: {  	s18 =	sld [smem:$0x3FD0];
	(tm) =	ssettm $0x1  }
0x92: {  	s4 =	sld [smem:$0x3FFB];
	_ =	sdelay $0x3  }
0x93: {  	_ =	strace s4  }
0x94: {  	s4 =	sld [smem:$0x3FFC];
	_ =	sdelay $0x3  }
0x95: {  	_ =	strace s4  }
0x96: {  	s4 =	sld [smem:$0x3FFD];
	_ =	sdelay $0x3  }
0x97: {  	_ =	strace s4  }
0x98: {  	_ =	strace $0x8FFFFFFF  }
0x99: {  	s19 =	sld [smem:$0x3FDB];
	_ =	sdelay $0x1  }
0x9a: {  	s5 =	simm.s32 $_scs_section_size  }
0x9b: {  	s6 =	simm.s32 $_size__tile_overlayer_lowered;
	s7 =	simm.s32 $_tile_overlayer_lowered  }
0x9c: {  	s22 =	simm.s32 $0x1BFF;
	s21 =	sshll.u32 s7, $0x1;
	s4 =	sadd.s32 s5, s19  }
0x9d: {  	s8 =	simm.s32 $0x0;
	s20 =	sshll.u32 s6, $0x1;
	s6 =	sadd.s32 s21, s4  }
0x9e: {  	[timem:s8], [sflag:s22] =	dma.local [hbm:s6], s20  }
0x9f: {  	_ =	swait.ge [sflag:s22], s20  }
0xa0: {  	s5 =	ssub.s32 $0x0, s20;
	[sflag:s22] =	ssyncset.done $0x0  }
0xa1: {  	[sflag:s22] =	ssyncadd.s32 s5;
	_ =	sdelay $0x1  }
0xa2: {  	s23 =	simm.s32 $0x1B8B  }
0xa3: {  	_ =	swait.ge [sflag:s23], $0x1  }
0xa4: {  	[sflag:s23] =	ssyncset.done $0x0  }
0xa5: {  	s25 =	simm.s32 $0x1B8E;
	s24 =	sld [smem:$0x3FFE];
	[sflag:s23] =	ssyncadd.s32 $0xFFFFFFFF  }
0xa6: {  	s26 =	simm.s32 $execute0_lowered;
	[smem:$0x3FD2] =	sst s25  }
0xa7: {  	s6 =	sshll.u32 s26, $0x1;
	_ =	strace $0x80000046;
	[dreg:$0x1] =	wrdreg $0xFFFFFFFF  }
0xa8: {  	s28 =	simm.s32 $_size_execute0_lowered;
	s4 =	sadd.s32 s4, s6;
	[dreg:$0x0] =	wrdreg $0x0  }
0xa9: {  	s6 =	sshll.u32 s28, $0x1;
	[dreg:$0x2] =	wrdreg s4  }
0xaa: {  	[dreg:$0x3] =	wrdreg s6  }
0xab: {  	[dreg:$0x4] =	wrdreg $0xC0  }
0xac: {  	_ =	task [dreg:s8], $0x5FFFF  }
0xad: {  	[dreg:$0x1] =	wrdreg $0xFFFFFFFF  }
0xae: {  	[dreg:$0x0] =	wrdreg $0x60  }
0xaf: {  	[dreg:$0x2] =	wrdreg s18  }
0xb0: {  	[dreg:$0x3] =	wrdreg s24  }
0xb1: {  	[dreg:$0x4] =	wrdreg s2  }
0xb2: {  	[dreg:$0x5] =	wrdreg $0x9  }
0xb3: {  	_ =	task.clear_ibuf [dreg:s8], $0x6FFFF;
	_ =	strace $0x90000046  }
0xb4: {  	s29 =	simm.s32 $0x9;
	_ =	strace $0x80000048  }
0xb5: {  	_ =	swait.ge [sflag:s29], $0x1  }
0xb6: {  	[sflag:s29] =	ssyncadd.s32 $0xFFFFFFFF  }
0xb7: {  	_ =	strace $0x90000048  }
0xb8: {  	_ =	sfence  }
0xb9: {  	s30 =	sld [smem:$0x0];
	_ =	sdelay $0x2  }
0xba: {  	s31 =	sshll.u32 s1, $0xD;
	s1 =	sshrl.u32 s1, $0x2  }
0xbb: {  	s3 =	sand.u32 $0x4000, s31;
	s1 =	sadd.s32 s1, s30  }
0xbc: {  	s0 =	sor.u32 s3, s0;
	s1 =	sshll.u32 s1, $0x11  }
0xbd: {  	s0 =	sor.u32 s1, s0  }
0xbe: {  	s0 =	sadd.s32 $0x8F2B, s0  }
0xbf: {  	[sflag:s0] =	ssyncadd.remote.s32 $0x1  }
0xc0: {  	_ =	sfence.sel $0xFFFF  }
0xc1: {  	[dreg:$0x0] =	wrdreg $0xFFFFFFFF;
	(pc) =	sbr.abs _section_cstart, $3  }
0xc2: {  	[dreg:$0x1] =	wrdreg $0xFFFFFFFF  }
0xc3: {  	_ =	task.clear_ibuf [dreg:s8], $0x2FFFF;
	_ =	strace $0x9FFFFFFF  }
0xc4: {  	(tm) =	ssettm $0x7FFFFFFF  }
0xc5: {  	_ =	shalt  }
tec
execute0_lowered:
.L_overlay_start_1:
0x0: {  	(tag) =	ssettag $0x1  }
0x1: {  	v8 =	vlaneseq.u32  }
0x2: {  	s1 =	simm.s32 $0x0;
	v0 =	vmul.u32 $0x9, v8;
	v8 =	vmul.u32 $0x3, v8  }
0x3: {  	[smem:$0x7FF] =	sst s1  }
0x4: {  	s0 =	rddreg [dreg:$0x1];
	_ =	strace $0x80000047;
	v12 =	vadd.s32 $0x1, v8;
	[tilespmem:$0x1FF60] =	vst v8  }
0x5: {  	v52 =	vadd.s32 $0x2, v8;
	[tilespmem:$0x1FE90] =	vst v12  }
0x6: {  	v53 =	vadd.s32 $0x30, v8;
	[tilespmem:$0x1FEA0] =	vst v52  }
0x7: {  	v54 =	vadd.s32 $0x31, v8;
	[tilespmem:$0x1FEB0] =	vst v53  }
0x8: {  	v55 =	vadd.s32 $0x32, v8;
	[tilespmem:$0x1FEC0] =	vst v54  }
0x9: {  	v56 =	vadd.s32 $0x60, v8;
	[tilespmem:$0x1FED0] =	vst v55  }
0xa: {  	v57 =	vadd.s32 $0x61, v8;
	[tilespmem:$0x1FEE0] =	vst v56  }
0xb: {  	v58 =	vadd.s32 $0x62, v8;
	[tilespmem:$0x1FEF0] =	vst v57  }
0xc: {  	v59 =	vadd.s32 $0x90, v8;
	[tilespmem:$0x1FF00] =	vst v58  }
0xd: {  	v60 =	vadd.s32 $0x91, v8;
	[tilespmem:$0x1FF10] =	vst v59  }
0xe: {  	v61 =	vadd.s32 $0x92, v8;
	[tilespmem:$0x1FF20] =	vst v60  }
0xf: {  	v62 =	vor.u32 $0xC0, v8;
	[tilespmem:$0x1FF30] =	vst v61  }
0x10: {  	v63 =	vadd.s32 $0xC1, v8;
	[tilespmem:$0x1FF40] =	vst v62  }
0x11: {  	v8 =	vadd.s32 $0xC2, v8;
	[tilespmem:$0x1FF50] =	vst v63  }
0x12: {  	s2 =	srdreg.scid;
	s28 =	stileid.u32;
	s12 =	simm.s32 $0x1;
	v3 =	vadd.s32 $0x1, v0;
	[tilespmem:$0x1FF70] =	vst v8  }
0x13: {  	s15 =	simm.s32 $0x4580;
	s16 =	simm.s32 $0xB500;
	s17 =	simm.s32 $0x80;
	v4 =	vadd.s32 $0x2, v0;
	[tilespmem:$0x1FF80] =	vst v3  }
0x14: {  	s18 =	simm.s32 $0x400;
	s19 =	simm.s32 $0xB600;
	s20 =	simm.s32 $0xBC00;
	v5 =	vadd.s32 $0x3, v0;
	[tilespmem:$0x1FF90] =	vst v4  }
0x15: {  	s21 =	simm.s32 $0xC200;
	s23 =	simm.s32 $0x0;
	s2 =	sand.u32 $0x1, s2;
	v6 =	vadd.s32 $0x4, v0;
	[tilespmem:$0x1FFA0] =	vst v5  }
0x16: {  	s4 =	sshll.u32 s28, $0x1;
	s29 =	sadd.s32 $0x400, s0;
	s3 =	ssub.s32 $0x2, s2;
	v7 =	vadd.s32 $0x5, v0;
	[tilespmem:$0x1FFB0] =	vst v6  }
0x17: {  	s30 =	sadd.s32 $0xC00, s0;
	s8 =	sadd.s32 $0xE00, s0;
	s5 =	sshrl.u32 s3, $0x1;
	v9 =	vadd.s32 $0x6, v0;
	[tilespmem:$0x1FFC0] =	vst v7  }
0x18: {  	[dreg:$0x4] =	wrdreg s29;
	s2 =	sor.u32 s2, s4;
	v10 =	vadd.s32 $0x7, v0;
	s3 =	ssub.s32 s3, s5;
	[tilespmem:$0x1FFD0] =	vst v9  }
0x19: {  	[dreg:$0x5] =	wrdreg s30;
	s7 =	smul.u32 $0x3400, s2;
	v11 =	vadd.s32 $0x8, v0;
	[tilespmem:$0x1FFE0] =	vst v10;
	s31 =	smax.u32 s3, $0x1  }
0x1a: {  	v1 =	vimm.f32 $0.0e+00;
	v2 =	vimm.f32 $1.000000000e+00;
	v26 =	vimm.s32 $0x0;
	s1 =	simm.s32 $0x0;
	s9 =	smul.u32 $0x72000, s2;
	[tilespmem:$0x1FFF0] =	vst v11;
	[dreg:$0x6] =	wrdreg s31  }
.LBB2_1:
0x1b: {  	[dreg:$0x7] =	wrdreg s1  }
0x1c: {  	s24 =	simm.s32 $0x0;
	s0 =	rddreg [dreg:$0x5];
	s2 =	simm.s32 $0x680  }
0x1d: {  	[tilespmem:s2], [sflag:$0x1] =	stream.linear.gather [hbm4b:s0+s24], $0xC80, $0x38;
	[tilespmem:$0x1A600] =	vst v63  }
0x1e: {  	_ =	swait.ge [sflag:s12], $0xC80  }
0x1f: {  	[sflag:s12] =	ssyncset.done $0x0  }
0x20: {  	s26 =	simm.s32 $0x1300;
	s25 =	rddreg [dreg:$0x4];
	[sflag:s12] =	ssyncadd.s32 $0xFFFFF380  }
0x21: {  	[tilespmem:s26], [sflag:$0x1] =	stream.linear.gather [hbm4b:s25+s24], $0x3200, $0x38;
	[tilespmem:$0x1A600] =	vst v63  }
0x22: {  	_ =	swait.ge [sflag:s12], $0x3200  }
0x23: {  	[sflag:s12] =	ssyncset.done $0x0  }
0x24: {  	[sflag:s12] =	ssyncadd.s32 $0xFFFFCE00  }
0x25: {  	s29 =	simm.s32 $0x4500;
	s28 =	rddreg [dreg:$0x2]  }
0x26: {  	[tilespmem:s29], [sflag:$0x1] =	stream.linear.gather [hbm4b:s28+s24], $0x80, $0x38;
	[tilespmem:$0x1A600] =	vst v63  }
0x27: {  	_ =	swait.ge [sflag:s12], $0x80  }
0x28: {  	s30 =	sand.u32 $0x70, s24;
	s31 =	sand.u32 $0x3E00, s24;
	[sflag:s12] =	ssyncset.done $0x0  }
0x29: {  	s0 =	sor.u32 s30, s31;
	[sflag:s12] =	ssyncadd.s32 $0xFFFFFF80  }
0x2a: {  	v13 =	vld [tilespmem:s0+$0x1300]  }
0x2b: {  	v14 =	vld [tilespmem:s0+$0x1380];
	_ =	sdelay $0x2  }
0x2c: {  	v16 =	vld [tilespmem:s0+$0x1400]  }
0x2d: {  	v13 =	vsub.f32 $0.0e+00, v13  }
0x2e: {  	v27 =	vld [tilespmem:s0+$0x1480];
	v14 =	vsub.f32 $0.0e+00, v14  }
0x2f: {  	v13 =	vmul.f32 $1.442695020e+00, v13  }
0x30: {  	v14 =	vmul.f32 $1.442695020e+00, v14  }
0x31: {  	v16 =	vsub.f32 $0.0e+00, v16;
	(erf) = vpow2.f32 v13  }
0x32: {  	(erf) = vpow2.f32 v14  }
0x33: {  	v13 =	vmul.f32 $1.442695020e+00, v16;
	v16 =	vsub.f32 $0.0e+00, v27;
	_ =	sdelay $0x1  }
0x34: {  	v14 =	vmul.f32 $1.442695020e+00, v16;
	(erf) = vpow2.f32 v13;
	_ =	sdelay $0x1  }
0x35: {  	(erf) = vpow2.f32 v14;
	_ =	sdelay $0x2  }
0x36: {  	v13 =	vpop (erf)  }
0x37: {  	v14 =	vpop (erf)  }
0x38: {  	v13 =	vadd.f32 $1.000000000e+00, v13;
	v14 =	vadd.f32 $1.000000000e+00, v14;
	_ =	sdelay $0x1  }
0x39: {  	v16 =	vpop (erf);
	(erf) = vrcp.f32 v13  }
0x3a: {  	v13 =	vadd.f32 $1.000000000e+00, v16;
	(erf) = vrcp.f32 v14  }
0x3b: {  	v14 =	vpop (erf)  }
0x3c: {  	(erf) = vrcp.f32 v13;
	v14 =	vadd.f32 $1.000000000e+00, v14  }
0x3d: {  	v13 =	vmov s24  }
0x3e: {  	v13 =	vmul.u32 $0x9, v13;
	(erf) = vrcp.f32 v14;
	_ =	sdelay $0x3  }
0x3f: {  	v14 =	vbroadcast v13, $0x0;
	v13 =	vpop (erf)  }
0x40: {  	v16 =	vpop (erf)  }
0x41: {  	v27 =	vadd.s32 v0, v14;
	v16 =	vmul.f32 v16, v13  }
0x42: {  	v28 =	vadd.s32 v3, v14;
	v29 =	vpop (erf)  }
0x43: {  	v30 =	vadd.s32 v4, v14;
	v29 =	vmul.f32 v29, v16  }
0x44: {  	v31 =	vadd.s32 v5, v14;
	v32 =	vpop (erf)  }
0x45: {  	v33 =	vadd.s32 v6, v14;
	v32 =	vmul.f32 v32, v29  }
0x46: {  	[tilespmem:v27+s15+$0x0] =	vst.idx.msk $0xffff, v1  }
0x47: {  	v27 =	vadd.s32 v7, v14;
	[tilespmem:v28+s15+$0x0] =	vst.idx.msk $0xffff, v32  }
0x48: {  	v34 =	vadd.s32 v9, v14;
	[tilespmem:v30+s15+$0x0] =	vst.idx.msk $0xffff, v29  }
0x49: {  	[tilespmem:v31+s15+$0x0] =	vst.idx.msk $0xffff, v32  }
0x4a: {  	[tilespmem:v33+s15+$0x0] =	vst.idx.msk $0xffff, v16;
	v16 =	vadd.s32 v10, v14  }
0x4b: {  	v14 =	vadd.s32 v11, v14  }
0x4c: {  	s0 =	simm.s32 $0x10;
	[tilespmem:v27+s15+$0x0] =	vst.idx.msk $0xffff, v13  }
0x4d: {  	s6 =	simm.s32 $0x20;
	s3 =	simm.s32 $0x40;
	s2 =	sand.u32 $0x70, s0;
	[tilespmem:v34+s15+$0x0] =	vst.idx.msk $0xffff, v29  }
.LBB2_2:
0x4e: {  	s10 =	sand.u32 $0x70, s6  }
0x4f: {  	s11 =	sand.u32 $0x3E00, s3;
	[tilespmem:v16+s15+$0x0] =	vst.idx.msk $0xffff, v13;
	s5 =	smov.u32 s6;
	s4 =	sadd.s32 $0x10, s6  }
0x50: {  	p0 =	sne.s32 s6, $0xC50;
	s6 =	sor.u32 s2, s11;
	[tilespmem:v14+s15+$0x0] =	vst.idx.msk $0xffff, v2;
	s2 =	smov.u32 s10  }
0x51: {  	v13 =	vld [tilespmem:s6+$0x1300]  }
0x52: {  	v14 =	vld [tilespmem:s6+$0x1380]  }
0x53: {  	v16 =	vld [tilespmem:s6+$0x1400];
	_ =	sdelay $0x1  }
0x54: {  	v27 =	vld [tilespmem:s6+$0x1480]  }
0x55: {  	v13 =	vsub.f32 $0.0e+00, v13  }
0x56: {  	v14 =	vsub.f32 $0.0e+00, v14  }
0x57: {  	v13 =	vmul.f32 $1.442695020e+00, v13;
	v16 =	vsub.f32 $0.0e+00, v16  }
0x58: {  	v14 =	vmul.f32 $1.442695020e+00, v14  }
0x59: {  	v16 =	vmul.f32 $1.442695020e+00, v16;
	v27 =	vsub.f32 $0.0e+00, v27;
	(erf) = vpow2.f32 v13  }
0x5a: {  	(erf) = vpow2.f32 v14  }
0x5b: {  	v13 =	vmul.f32 $1.442695020e+00, v27;
	(erf) = vpow2.f32 v16;
	_ =	sdelay $0x1  }
0x5c: {  	(erf) = vpow2.f32 v13;
	_ =	sdelay $0x4  }
0x5d: {  	v13 =	vpop (erf)  }
0x5e: {  	v8 =	vadd.f32 $1.000000000e+00, v13;
	v14 =	vpop (erf)  }
0x5f: {  	v14 =	vadd.f32 $1.000000000e+00, v14;
	v16 =	vpop (erf)  }
0x60: {  	v16 =	vadd.f32 $1.000000000e+00, v16;
	(erf) = vrcp.f32 v8  }
0x61: {  	(erf) = vrcp.f32 v14;
	v13 =	vpop (erf)  }
0x62: {  	v13 =	vadd.f32 $1.000000000e+00, v13;
	(erf) = vrcp.f32 v16;
	_ =	sdelay $0x1  }
0x63: {  	(erf) = vrcp.f32 v13  }
0x64: {  	v13 =	vmov s0;
	s0 =	smov.u32 s5  }
0x65: {  	v8 =	vmul.u32 $0x9, v13;
	_ =	sdelay $0x1  }
0x66: {  	v14 =	vbroadcast v8, $0x0  }
0x67: {  	v13 =	vpop (erf)  }
0x68: {  	v16 =	vadd.s32 v0, v14;
	v27 =	vpop (erf)  }
0x69: {  	v28 =	vadd.s32 v3, v14;
	v27 =	vmul.f32 v27, v13;
	v29 =	vpop (erf)  }
0x6a: {  	v30 =	vadd.s32 v4, v14  }
0x6b: {  	v31 =	vadd.s32 v5, v14;
	v29 =	vmul.f32 v29, v27;
	v32 =	vpop (erf)  }
0x6c: {  	v33 =	vadd.s32 v6, v14  }
0x6d: {  	v34 =	vadd.s32 v7, v14;
	v32 =	vmul.f32 v32, v29;
	[tilespmem:v16+s15+$0x0] =	vst.idx.msk $0xffff, v1  }
0x6e: {  	v35 =	vadd.s32 v9, v14  }
0x6f: {  	v16 =	vadd.s32 v10, v14;
	[tilespmem:v28+s15+$0x0] =	vst.idx.msk $0xffff, v32  }
.Ltmp0:
0x70: {  	v14 =	vadd.s32 v11, v14;
	[tilespmem:v30+s15+$0x0] =	vst.idx.msk $0xffff, v29;
	(pc) =	sbr.rel @p0 .LBB2_2-.Ltmp0, $4  }
0x71: {  	[tilespmem:v31+s15+$0x0] =	vst.idx.msk $0xffff, v32  }
0x72: {  	[tilespmem:v33+s15+$0x0] =	vst.idx.msk $0xffff, v27  }
0x73: {  	[tilespmem:v34+s15+$0x0] =	vst.idx.msk $0xffff, v13  }
0x74: {  	s3 =	sadd.s32 $0x40, s3;
	s6 =	smov.u32 s4;
	[tilespmem:v35+s15+$0x0] =	vst.idx.msk $0xffff, v29  }
0x75: {  	_ =	sdelay $0x3  }
0x76: {  	s3 =	sand.u32 $0x3E00, s3;
	[tilespmem:v16+s15+$0x0] =	vst.idx.msk $0xffff, v13  }
0x77: {  	s2 =	sor.u32 s2, s3;
	[tilespmem:v14+s15+$0x0] =	vst.idx.msk $0xffff, v2  }
0x78: {  	v13 =	vld [tilespmem:s2+$0x1300]  }
0x79: {  	v14 =	vld [tilespmem:s2+$0x1380];
	_ =	sdelay $0x1  }
0x7a: {  	v16 =	vld [tilespmem:s2+$0x1400];
	_ =	sdelay $0x1  }
0x7b: {  	v27 =	vld [tilespmem:s2+$0x1480];
	v13 =	vsub.f32 $0.0e+00, v13  }
0x7c: {  	v14 =	vsub.f32 $0.0e+00, v14  }
0x7d: {  	v13 =	vmul.f32 $1.442695020e+00, v13  }
0x7e: {  	v16 =	vsub.f32 $0.0e+00, v16;
	v14 =	vmul.f32 $1.442695020e+00, v14  }
0x7f: {  	(erf) = vpow2.f32 v13  }
0x80: {  	v53 =	vsub.f32 $0.0e+00, v27;
	v52 =	vmul.f32 $1.442695020e+00, v16;
	(erf) = vpow2.f32 v14;
	_ =	sdelay $0x1  }
0x81: {  	v54 =	vmul.f32 $1.442695020e+00, v53;
	(erf) = vpow2.f32 v52;
	_ =	sdelay $0x1  }
0x82: {  	(erf) = vpow2.f32 v54;
	_ =	sdelay $0x3  }
0x83: {  	v55 =	vpop (erf)  }
0x84: {  	v13 =	vadd.f32 $1.000000000e+00, v55;
	v56 =	vpop (erf)  }
0x85: {  	v14 =	vadd.f32 $1.000000000e+00, v56  }
0x86: {  	v57 =	vpop (erf);
	(erf) = vrcp.f32 v13  }
0x87: {  	v58 =	vadd.f32 $1.000000000e+00, v57;
	(erf) = vrcp.f32 v14  }
0x88: {  	v59 =	vpop (erf)  }
0x89: {  	v14 =	vadd.f32 $1.000000000e+00, v59;
	(erf) = vrcp.f32 v58;
	_ =	sdelay $0x1  }
0x8a: {  	(erf) = vrcp.f32 v14  }
0x8b: {  	v60 =	vmov s0  }
0x8c: {  	v13 =	vmul.u32 $0x9, v60;
	_ =	sdelay $0x1  }
0x8d: {  	v13 =	vbroadcast v13, $0x0;
	v61 =	vpop (erf)  }
0x8e: {  	v62 =	vpop (erf)  }
0x8f: {  	v27 =	vadd.s32 v0, v13;
	v16 =	vmul.f32 v62, v61  }
0x90: {  	v28 =	vadd.s32 v3, v13;
	v29 =	vpop (erf)  }
0x91: {  	v30 =	vadd.s32 v4, v13;
	v29 =	vmul.f32 v29, v16  }
0x92: {  	v31 =	vadd.s32 v5, v13;
	v32 =	vpop (erf)  }
0x93: {  	v33 =	vadd.s32 v6, v13;
	v32 =	vmul.f32 v32, v29  }
0x94: {  	[tilespmem:v27+s15+$0x0] =	vst.idx.msk $0xffff, v1;
	v27 =	vadd.s32 v7, v13  }
0x95: {  	v34 =	vadd.s32 v9, v13;
	[tilespmem:v28+s15+$0x0] =	vst.idx.msk $0xffff, v32  }
0x96: {  	v63 =	vadd.s32 v10, v13;
	[tilespmem:v30+s15+$0x0] =	vst.idx.msk $0xffff, v29  }
0x97: {  	v13 =	vadd.s32 v11, v13;
	[tilespmem:v31+s15+$0x0] =	vst.idx.msk $0xffff, v32  }
0x98: {  	[tilespmem:v33+s15+$0x0] =	vst.idx.msk $0xffff, v16  }
0x99: {  	[tilespmem:v27+s15+$0x0] =	vst.idx.msk $0xffff, v61  }
0x9a: {  	[tilespmem:v34+s15+$0x0] =	vst.idx.msk $0xffff, v29  }
0x9b: {  	[tilespmem:v63+s15+$0x0] =	vst.idx.msk $0xffff, v61  }
0x9c: {  	[tilespmem:v13+s15+$0x0] =	vst.idx.msk $0xffff, v2  }
0x9d: {  	v13 =	vld [tilespmem:$0x4500];
	_ =	sdelay $0x4  }
0x9e: {  	v13 =	vsub.f32 $0.0e+00, v13;
	_ =	sdelay $0x1  }
0x9f: {  	v13 =	vmul.f32 $1.442695020e+00, v13;
	_ =	sdelay $0x1  }
0xa0: {  	(erf) = vpow2.f32 v13;
	_ =	sdelay $0x5  }
0xa1: {  	v3 =	vld [tilespmem:$0x1FF60];
	_ =	sdelay $0x2  }
0xa2: {  	v13 =	vpop (erf)  }
0xa3: {  	v13 =	vadd.f32 $1.000000000e+00, v13;
	_ =	sdelay $0x1  }
0xa4: {  	(erf) = vrcp.f32 v13;
	_ =	sdelay $0x1  }
0xa5: {  	[tilespmem:v3+s16+$0x0] =	vst.idx.msk $0xffff, v1;
	v3 =	vld [tilespmem:$0x1FE90];
	_ =	sdelay $0x6  }
0xa6: {  	v13 =	vpop (erf)  }
0xa7: {  	[tilespmem:v3+s16+$0x0] =	vst.idx.msk $0xffff, v13;
	v3 =	vld [tilespmem:$0x1FEA0];
	_ =	sdelay $0x7  }
0xa8: {  	[tilespmem:v3+s16+$0x0] =	vst.idx.msk $0xffff, v2  }
0xa9: {  	v13 =	vld [tilespmem:$0x4510];
	_ =	sdelay $0x4  }
0xaa: {  	v13 =	vsub.f32 $0.0e+00, v13;
	_ =	sdelay $0x1  }
0xab: {  	v13 =	vmul.f32 $1.442695020e+00, v13;
	_ =	sdelay $0x1  }
0xac: {  	(erf) = vpow2.f32 v13;
	_ =	sdelay $0x5  }
0xad: {  	v3 =	vld [tilespmem:$0x1FEB0];
	_ =	sdelay $0x2  }
0xae: {  	v13 =	vpop (erf)  }
0xaf: {  	v13 =	vadd.f32 $1.000000000e+00, v13;
	_ =	sdelay $0x1  }
0xb0: {  	(erf) = vrcp.f32 v13;
	_ =	sdelay $0x1  }
0xb1: {  	[tilespmem:v3+s16+$0x0] =	vst.idx.msk $0xffff, v1;
	v3 =	vld [tilespmem:$0x1FEC0];
	_ =	sdelay $0x6  }
0xb2: {  	v13 =	vpop (erf)  }
0xb3: {  	[tilespmem:v3+s16+$0x0] =	vst.idx.msk $0xffff, v13;
	v3 =	vld [tilespmem:$0x1FED0];
	_ =	sdelay $0x7  }
0xb4: {  	[tilespmem:v3+s16+$0x0] =	vst.idx.msk $0xffff, v2  }
0xb5: {  	v13 =	vld [tilespmem:$0x4520];
	_ =	sdelay $0x4  }
0xb6: {  	v13 =	vsub.f32 $0.0e+00, v13;
	_ =	sdelay $0x1  }
0xb7: {  	v13 =	vmul.f32 $1.442695020e+00, v13;
	_ =	sdelay $0x1  }
0xb8: {  	(erf) = vpow2.f32 v13;
	_ =	sdelay $0x5  }
0xb9: {  	v3 =	vld [tilespmem:$0x1FEE0];
	_ =	sdelay $0x2  }
0xba: {  	v13 =	vpop (erf)  }
0xbb: {  	v13 =	vadd.f32 $1.000000000e+00, v13;
	_ =	sdelay $0x1  }
0xbc: {  	(erf) = vrcp.f32 v13;
	_ =	sdelay $0x1  }
0xbd: {  	[tilespmem:v3+s16+$0x0] =	vst.idx.msk $0xffff, v1;
	v3 =	vld [tilespmem:$0x1FEF0];
	_ =	sdelay $0x6  }
0xbe: {  	v13 =	vpop (erf)  }
0xbf: {  	[tilespmem:v3+s16+$0x0] =	vst.idx.msk $0xffff, v13;
	v3 =	vld [tilespmem:$0x1FF00];
	_ =	sdelay $0x7  }
0xc0: {  	[tilespmem:v3+s16+$0x0] =	vst.idx.msk $0xffff, v2  }
0xc1: {  	v13 =	vld [tilespmem:$0x4530];
	_ =	sdelay $0x4  }
0xc2: {  	v13 =	vsub.f32 $0.0e+00, v13;
	_ =	sdelay $0x1  }
0xc3: {  	v13 =	vmul.f32 $1.442695020e+00, v13;
	_ =	sdelay $0x1  }
0xc4: {  	(erf) = vpow2.f32 v13;
	_ =	sdelay $0x5  }
0xc5: {  	v3 =	vld [tilespmem:$0x1FF10];
	_ =	sdelay $0x2  }
0xc6: {  	v13 =	vpop (erf)  }
0xc7: {  	v13 =	vadd.f32 $1.000000000e+00, v13;
	_ =	sdelay $0x1  }
0xc8: {  	(erf) = vrcp.f32 v13;
	_ =	sdelay $0x1  }
0xc9: {  	[tilespmem:v3+s16+$0x0] =	vst.idx.msk $0xffff, v1;
	v3 =	vld [tilespmem:$0x1FF20];
	_ =	sdelay $0x6  }
0xca: {  	v13 =	vpop (erf)  }
0xcb: {  	[tilespmem:v3+s16+$0x0] =	vst.idx.msk $0xffff, v13;
	v3 =	vld [tilespmem:$0x1FF30];
	_ =	sdelay $0x7  }
0xcc: {  	[tilespmem:v3+s16+$0x0] =	vst.idx.msk $0xffff, v2  }
0xcd: {  	v13 =	vld [tilespmem:$0x4540];
	_ =	sdelay $0x4  }
0xce: {  	v13 =	vsub.f32 $0.0e+00, v13;
	_ =	sdelay $0x1  }
0xcf: {  	v13 =	vmul.f32 $1.442695020e+00, v13;
	_ =	sdelay $0x1  }
0xd0: {  	(erf) = vpow2.f32 v13;
	_ =	sdelay $0x5  }
0xd1: {  	v3 =	vld [tilespmem:$0x1FF40];
	_ =	sdelay $0x2  }
0xd2: {  	v13 =	vpop (erf)  }
0xd3: {  	v13 =	vadd.f32 $1.000000000e+00, v13;
	_ =	sdelay $0x1  }
0xd4: {  	(erf) = vrcp.f32 v13;
	_ =	sdelay $0x1  }
0xd5: {  	[tilespmem:v3+s16+$0x0] =	vst.idx.msk $0xffff, v1;
	v1 =	vld [tilespmem:$0x1FF50];
	_ =	sdelay $0x6  }
0xd6: {  	v13 =	vpop (erf)  }
0xd7: {  	[tilespmem:v1+s16+$0x0] =	vst.idx.msk $0xffff, v13;
	v1 =	vld [tilespmem:$0x1FF70];
	_ =	sdelay $0x7  }
0xd8: {  	s24 =	simm.s32 $0x0;
	[tilespmem:v1+s16+$0x0] =	vst.idx.msk $0xffff, v2  }
.LBB2_4:
0xd9: {  	s25 =	sshll.u32 s24, $0x7  }
0xda: {  	s0 =	sadd.s32 s7, s25  }
0xdb: {  	s1 =	rddreg [dreg:$0x0];
	s0 =	sshrl.u32 s0, $0x3  }
0xdc: {  	s26 =	simm.s32 $0x50;
	s0 =	sadd.s32 s1, s0  }
0xdd: {  	v29 =	vimm.s32 $0xFFFFFFFF;
	[tilespmem:s23], [sflag:$0x1] =	stream.strided.gather [hbm4b:s0+s17], $0x680, s18, s17, $0x38;
	[tilespmem:$0x1A600] =	vst v63  }
0xde: {  	v32 =	vimm.s32 $0x1;
	v38 =	vimm.s32 $0x1;
	v13 =	vimm.s32 $0x1;
	s28 =	simm.s32 $0x5;
	s29 =	simm.s32 $0xCF8;
	_ =	swait.ge [sflag:s12], $0x680  }
0xdf: {  	s30 =	simm.s32 $0xE;
	v14 =	vimm.s32 $0x1;
	v16 =	vimm.s32 $0x1;
	v31 =	vimm.s32 $0xFFFFFFFF;
	s5 =	simm.s32 $0xCF68;
	[sflag:s12] =	ssyncset.done $0x0  }
0xe0: {  	v30 =	vimm.s32 $0xFFFFFFFF;
	v28 =	vimm.s32 $0xFFFFFFFF;
	v27 =	vimm.s32 $0xFFFFFFFF;
	s3 =	simm.s32 $0x0;
	s0 =	simm.s32 $0xDAF8;
	[sflag:s12] =	ssyncadd.s32 $0xFFFFF980  }
.LBB2_5:
0xe1: {  	s6 =	smul.u32 $0xA0, s3;
	_ =	sdelay $0x1  }
0xe2: {  	v33 =	vld [tilespmem:s6+$0x0]  }
0xe3: {  	v34 =	vld [tilespmem:s6+$0xA0];
	_ =	sdelay $0x1  }
0xe4: {  	v35 =	vld [tilespmem:s6+$0x50];
	_ =	sdelay $0x2  }
0xe5: {  	v36 =	vadd.s32 v33, v34  }
0xe6: {  	v37 =	vsub.s32 $0x1, v36  }
0xe7: {  	v33 =	vmul.u32 v33, v34;
	v21 =	vmul.u32 v35, v37;
	_ =	sdelay $0x1  }
0xe8: {  	v42 =	vadd.s32 v33, v21  }
0xe9: {  	v34 =	vshll.u32 v42, $0x1  }
0xea: {  	v34 =	vsub.s32 $0x1, v34  }
0xeb: {  	v22 =	vshll.u32 v33, $0x1;
	v23 =	vmul.u32 v16, v34  }
0xec: {  	v16 =	vsub.s32 v36, v22  }
0xed: {  	v16 =	vmul.u32 v16, v23  }
0xee: {  	v1 =	vld [tilespmem:$0x1FE90]  }
0xef: {  	v16 =	vadd.s32 v27, v16  }
0xf0: {  	vm0 =	vgt.s32 v16, $0x0  }
0xf1: {  	vm9 =	vlt.s32 v16, $0x0;
	v27 =	vsel vm0, $0x1, v26  }
0xf2: {  	v27 =	vsel vm9, $0xFFFFFFFF, v27  }
0xf3: {  	v16 =	vadd.s32 v1, v27  }
0xf4: {  	v46 =	vadd.s32 $0x1, v27  }
0xf5: {  	v47 =	vmul.u32 $0x3, v46  }
0xf6: {  	[tilespmem:s6+$0xBC00] =	vst v46  }
0xf7: {  	[tilespmem:s6+$0xB600] =	vst v47  }
0xf8: {  	v16 =	vld.idx.msk [tilespmem:v16+s16+$0x0], $0xffff;
	_ =	sdelay $0x2  }
0xf9: {  	s2 =	smul.u32 $0x1950, s3;
	_ =	sdelay $0x1  }
0xfa: {  	[tilespmem:s2+$0xC200] =	vst v16  }
0xfb: {  	v16 =	vld [tilespmem:s6+$0x10]  }
0xfc: {  	v48 =	vld [tilespmem:s6+$0xB0];
	_ =	sdelay $0x1  }
0xfd: {  	v49 =	vld [tilespmem:s6+$0x60];
	_ =	sdelay $0x2  }
0xfe: {  	v50 =	vadd.s32 v16, v48  }
0xff: {  	v51 =	vsub.s32 $0x1, v50  }
0x100: {  	v16 =	vmul.u32 v16, v48;
	v52 =	vmul.u32 v49, v51;
	_ =	sdelay $0x1  }
0x101: {  	v35 =	vadd.s32 v16, v52  }
0x102: {  	v34 =	vshll.u32 v35, $0x1  }
0x103: {  	v34 =	vsub.s32 $0x1, v34  }
0x104: {  	v16 =	vshll.u32 v16, $0x1;
	v34 =	vmul.u32 v14, v34  }
0x105: {  	v14 =	vsub.s32 v50, v16  }
0x106: {  	v14 =	vmul.u32 v14, v34  }
0x107: {  	v2 =	vld [tilespmem:$0x1FEC0]  }
0x108: {  	v14 =	vadd.s32 v28, v14  }
0x109: {  	vm10 =	vgt.s32 v14, $0x0  }
0x10a: {  	vm11 =	vlt.s32 v14, $0x0;
	v16 =	vsel vm10, $0x1, v26  }
0x10b: {  	v28 =	vsel vm11, $0xFFFFFFFF, v16  }
0x10c: {  	v14 =	vadd.s32 v2, v28  }
0x10d: {  	v16 =	vadd.s32 $0x1, v28  }
0x10e: {  	v53 =	vmul.u32 $0x3, v16  }
0x10f: {  	[tilespmem:s6+$0xBC10] =	vst v16  }
0x110: {  	[tilespmem:s6+$0xB610] =	vst v53  }
0x111: {  	v14 =	vld.idx.msk [tilespmem:v14+s16+$0x0], $0xffff;
	_ =	sdelay $0x4  }
0x112: {  	[tilespmem:s2+$0xC210] =	vst v14  }
0x113: {  	v14 =	vld [tilespmem:s6+$0x20]  }
0x114: {  	v16 =	vld [tilespmem:s6+$0xC0];
	_ =	sdelay $0x1  }
0x115: {  	v54 =	vld [tilespmem:s6+$0x70];
	_ =	sdelay $0x2  }
0x116: {  	v39 =	vadd.s32 v14, v16  }
0x117: {  	v55 =	vsub.s32 $0x1, v39  }
0x118: {  	v14 =	vmul.u32 v14, v16;
	v16 =	vmul.u32 v54, v55;
	_ =	sdelay $0x1  }
0x119: {  	v37 =	vadd.s32 v14, v16  }
0x11a: {  	v16 =	vshll.u32 v37, $0x1  }
0x11b: {  	v16 =	vsub.s32 $0x1, v16  }
0x11c: {  	v14 =	vshll.u32 v14, $0x1;
	v56 =	vmul.u32 v13, v16  }
0x11d: {  	v13 =	vsub.s32 v39, v14  }
0x11e: {  	v13 =	vmul.u32 v13, v56  }
0x11f: {  	v3 =	vld [tilespmem:$0x1FEF0]  }
0x120: {  	v13 =	vadd.s32 v30, v13  }
0x121: {  	vm12 =	vgt.s32 v13, $0x0  }
0x122: {  	vm13 =	vlt.s32 v13, $0x0;
	v14 =	vsel vm12, $0x1, v26  }
0x123: {  	v30 =	vsel vm13, $0xFFFFFFFF, v14  }
0x124: {  	v13 =	vadd.s32 v3, v30  }
0x125: {  	v14 =	vadd.s32 $0x1, v30  }
0x126: {  	v16 =	vmul.u32 $0x3, v14  }
0x127: {  	[tilespmem:s6+$0xBC20] =	vst v14  }
0x128: {  	[tilespmem:s6+$0xB620] =	vst v16  }
0x129: {  	v13 =	vld.idx.msk [tilespmem:v13+s16+$0x0], $0xffff;
	_ =	sdelay $0x4  }
0x12a: {  	[tilespmem:s2+$0xC220] =	vst v13  }
0x12b: {  	v13 =	vld [tilespmem:s6+$0x30]  }
0x12c: {  	v14 =	vld [tilespmem:s6+$0xD0]  }
0x12d: {  	s4 =	sand.u32 $0xFE0, s6  }
0x12e: {  	v16 =	vld [tilespmem:s4+$0x80];
	_ =	sdelay $0x2  }
0x12f: {  	v40 =	vadd.s32 v13, v14  }
0x130: {  	v57 =	vsub.s32 $0x1, v40  }
0x131: {  	v13 =	vmul.u32 v13, v14;
	v14 =	vmul.u32 v16, v57;
	_ =	sdelay $0x1  }
0x132: {  	v39 =	vadd.s32 v13, v14  }
0x133: {  	v14 =	vshll.u32 v39, $0x1  }
0x134: {  	v14 =	vsub.s32 $0x1, v14  }
0x135: {  	v13 =	vshll.u32 v13, $0x1;
	v38 =	vmul.u32 v38, v14  }
0x136: {  	v13 =	vsub.s32 v40, v13  }
0x137: {  	v13 =	vmul.u32 v13, v38  }
0x138: {  	v4 =	vld [tilespmem:$0x1FF20]  }
0x139: {  	v13 =	vadd.s32 v31, v13  }
0x13a: {  	vm14 =	vgt.s32 v13, $0x0  }
0x13b: {  	vm15 =	vlt.s32 v13, $0x0;
	v14 =	vsel vm14, $0x1, v26  }
0x13c: {  	v31 =	vsel vm15, $0xFFFFFFFF, v14  }
0x13d: {  	v13 =	vadd.s32 v4, v31  }
0x13e: {  	v14 =	vadd.s32 $0x1, v31  }
0x13f: {  	v16 =	vmul.u32 $0x3, v14  }
0x140: {  	[tilespmem:s6+$0xBC30] =	vst v14  }
0x141: {  	[tilespmem:s6+$0xB630] =	vst v16  }
0x142: {  	v13 =	vld.idx.msk [tilespmem:v13+s16+$0x0], $0xffff;
	_ =	sdelay $0x4  }
0x143: {  	[tilespmem:s2+$0xC230] =	vst v13  }
0x144: {  	v13 =	vld [tilespmem:s6+$0x40]  }
0x145: {  	v14 =	vld [tilespmem:s6+$0xE0];
	_ =	sdelay $0x1  }
0x146: {  	v16 =	vld [tilespmem:s6+$0x90];
	_ =	sdelay $0x2  }
0x147: {  	v43 =	vadd.s32 v13, v14  }
0x148: {  	v58 =	vsub.s32 $0x1, v43  }
0x149: {  	v13 =	vmul.u32 v13, v14;
	v14 =	vmul.u32 v16, v58;
	_ =	sdelay $0x1  }
0x14a: {  	v41 =	vadd.s32 v13, v14  }
0x14b: {  	v14 =	vshll.u32 v41, $0x1  }
0x14c: {  	v14 =	vsub.s32 $0x1, v14  }
0x14d: {  	v13 =	vshll.u32 v13, $0x1;
	v59 =	vmul.u32 v32, v14  }
0x14e: {  	v13 =	vsub.s32 v43, v13  }
0x14f: {  	v13 =	vmul.u32 v13, v59  }
0x150: {  	v5 =	vld [tilespmem:$0x1FF50]  }
0x151: {  	v13 =	vadd.s32 v29, v13  }
0x152: {  	vm4 =	vgt.s32 v13, $0x0  }
0x153: {  	vm5 =	vlt.s32 v13, $0x0;
	v14 =	vsel vm4, $0x1, v26  }
0x154: {  	v29 =	vsel vm5, $0xFFFFFFFF, v14  }
0x155: {  	v13 =	vadd.s32 v5, v29  }
0x156: {  	v14 =	vadd.s32 $0x1, v29  }
0x157: {  	v16 =	vmul.u32 $0x3, v14  }
0x158: {  	[tilespmem:s6+$0xBC40] =	vst v14  }
0x159: {  	[tilespmem:s6+$0xB640] =	vst v16  }
0x15a: {  	v13 =	vld.idx.msk [tilespmem:v13+s16+$0x0], $0xffff;
	_ =	sdelay $0x4  }
0x15b: {  	[tilespmem:s2+$0xC240] =	vst v13  }
0x15c: {  	v13 =	vld [tilespmem:s6+$0x50]  }
0x15d: {  	v14 =	vld [tilespmem:s6+$0xF0];
	_ =	sdelay $0x1  }
0x15e: {  	v16 =	vld [tilespmem:s6+$0xA0]  }
0x15f: {  	v60 =	vsub.s32 $0x1, v42  }
0x160: {  	v32 =	vmul.u32 v60, v27  }
0x161: {  	v61 =	vadd.s32 v13, v14  }
0x162: {  	v62 =	vmul.u32 v27, v32;
	v44 =	vsub.s32 $0x1, v61  }
0x163: {  	v13 =	vmul.u32 v13, v14;
	v14 =	vmul.u32 v16, v44  }
0x164: {  	v16 =	vsub.s32 $0x1, v62  }
0x165: {  	v16 =	vmul.u32 v23, v16;
	v6 =	vadd.s32 v13, v14  }
0x166: {  	v14 =	vshll.u32 v6, $0x1  }
0x167: {  	v16 =	vsub.s32 v16, v32;
	v14 =	vsub.s32 $0x1, v14  }
0x168: {  	v13 =	vshll.u32 v13, $0x1;
	v63 =	vmul.u32 v16, v14  }
0x169: {  	v13 =	vsub.s32 v61, v13  }
0x16a: {  	v13 =	vmul.u32 v13, v63;
	_ =	sdelay $0x1  }
0x16b: {  	v13 =	vadd.s32 v27, v13  }
0x16c: {  	vm6 =	vgt.s32 v13, $0x0  }
0x16d: {  	vm7 =	vlt.s32 v13, $0x0;
	v14 =	vsel vm6, $0x1, v26  }
0x16e: {  	v27 =	vsel vm7, $0xFFFFFFFF, v14  }
0x16f: {  	v13 =	vadd.s32 v1, v27  }
0x170: {  	v14 =	vadd.s32 $0x1, v27  }
0x171: {  	v16 =	vmul.u32 $0x3, v14  }
0x172: {  	[tilespmem:s6+$0xBC50] =	vst v14  }
0x173: {  	[tilespmem:s6+$0xB650] =	vst v16  }
0x174: {  	v13 =	vld.idx.msk [tilespmem:v13+s16+$0x0], $0xffff;
	_ =	sdelay $0x4  }
0x175: {  	[tilespmem:s2+$0xCEA8] =	vst v13  }
0x176: {  	v13 =	vld [tilespmem:s6+$0x60]  }
0x177: {  	v14 =	vld [tilespmem:s4+$0x100];
	_ =	sdelay $0x1  }
0x178: {  	v16 =	vld [tilespmem:s6+$0xB0]  }
0x179: {  	v35 =	vsub.s32 $0x1, v35  }
0x17a: {  	[tilespmem:$0x1FE30] =	vst v6;
	v6 =	vmul.u32 v35, v28  }
0x17b: {  	v7 =	vadd.s32 v13, v14  }
0x17c: {  	v35 =	vmul.u32 v28, v6;
	v8 =	vsub.s32 $0x1, v7  }
0x17d: {  	v13 =	vmul.u32 v13, v14;
	v14 =	vmul.u32 v16, v8  }
0x17e: {  	v16 =	vsub.s32 $0x1, v35  }
0x17f: {  	v16 =	vmul.u32 v34, v16;
	v1 =	vadd.s32 v13, v14  }
0x180: {  	v14 =	vshll.u32 v1, $0x1  }
0x181: {  	v16 =	vsub.s32 v16, v6;
	v14 =	vsub.s32 $0x1, v14  }
0x182: {  	v13 =	vshll.u32 v13, $0x1;
	[tilespmem:$0x1FE50] =	vst v1;
	v1 =	vmul.u32 v16, v14  }
0x183: {  	v13 =	vsub.s32 v7, v13  }
0x184: {  	v13 =	vmul.u32 v13, v1;
	_ =	sdelay $0x1  }
0x185: {  	v13 =	vadd.s32 v28, v13  }
0x186: {  	vm8 =	vgt.s32 v13, $0x0  }
0x187: {  	vm9 =	vlt.s32 v13, $0x0;
	v14 =	vsel vm8, $0x1, v26  }
0x188: {  	v28 =	vsel vm9, $0xFFFFFFFF, v14  }
0x189: {  	v13 =	vadd.s32 v2, v28  }
0x18a: {  	v14 =	vadd.s32 $0x1, v28  }
0x18b: {  	v16 =	vmul.u32 $0x3, v14  }
0x18c: {  	[tilespmem:s6+$0xBC60] =	vst v14  }
0x18d: {  	[tilespmem:s6+$0xB660] =	vst v16  }
0x18e: {  	v13 =	vld.idx.msk [tilespmem:v13+s16+$0x0], $0xffff;
	_ =	sdelay $0x4  }
0x18f: {  	[tilespmem:s2+$0xCEB8] =	vst v13  }
0x190: {  	v13 =	vld [tilespmem:s6+$0x70]  }
0x191: {  	v14 =	vld [tilespmem:s6+$0x110];
	_ =	sdelay $0x1  }
0x192: {  	v16 =	vld [tilespmem:s6+$0xC0]  }
0x193: {  	v37 =	vsub.s32 $0x1, v37  }
0x194: {  	v9 =	vmul.u32 v37, v30  }
0x195: {  	v10 =	vadd.s32 v13, v14  }
0x196: {  	v37 =	vmul.u32 v30, v9;
	v11 =	vsub.s32 $0x1, v10  }
0x197: {  	v13 =	vmul.u32 v13, v14;
	v14 =	vmul.u32 v16, v11  }
0x198: {  	v16 =	vsub.s32 $0x1, v37  }
0x199: {  	[tilespmem:$0x1FE60] =	vst v1;
	v16 =	vmul.u32 v56, v16;
	v1 =	vadd.s32 v13, v14  }
0x19a: {  	v14 =	vshll.u32 v1, $0x1  }
0x19b: {  	v16 =	vsub.s32 v16, v9;
	v14 =	vsub.s32 $0x1, v14  }
0x19c: {  	v13 =	vshll.u32 v13, $0x1;
	[tilespmem:$0x1FE70] =	vst v1;
	v1 =	vmul.u32 v16, v14  }
0x19d: {  	v13 =	vsub.s32 v10, v13  }
0x19e: {  	v13 =	vmul.u32 v13, v1;
	_ =	sdelay $0x1  }
0x19f: {  	v13 =	vadd.s32 v30, v13  }
0x1a0: {  	vm10 =	vgt.s32 v13, $0x0  }
0x1a1: {  	vm11 =	vlt.s32 v13, $0x0;
	v14 =	vsel vm10, $0x1, v26  }
0x1a2: {  	v30 =	vsel vm11, $0xFFFFFFFF, v14  }
0x1a3: {  	v13 =	vadd.s32 v3, v30  }
0x1a4: {  	v14 =	vadd.s32 $0x1, v30  }
0x1a5: {  	v16 =	vmul.u32 $0x3, v14  }
0x1a6: {  	[tilespmem:s6+$0xBC70] =	vst v14  }
0x1a7: {  	[tilespmem:s6+$0xB670] =	vst v16  }
0x1a8: {  	v13 =	vld.idx.msk [tilespmem:v13+s16+$0x0], $0xffff;
	_ =	sdelay $0x4  }
0x1a9: {  	[tilespmem:s2+$0xCEC8] =	vst v13  }
0x1aa: {  	v13 =	vld [tilespmem:s4+$0x80]  }
0x1ab: {  	v14 =	vld [tilespmem:s6+$0x120];
	_ =	sdelay $0x1  }
0x1ac: {  	v16 =	vld [tilespmem:s6+$0xD0]  }
0x1ad: {  	v39 =	vsub.s32 $0x1, v39  }
0x1ae: {  	v20 =	vmul.u32 v39, v31  }
0x1af: {  	v21 =	vadd.s32 v13, v14  }
0x1b0: {  	v39 =	vmul.u32 v31, v20;
	v22 =	vsub.s32 $0x1, v21  }
0x1b1: {  	v13 =	vmul.u32 v13, v14;
	v14 =	vmul.u32 v16, v22  }
0x1b2: {  	v16 =	vsub.s32 $0x1, v39  }
0x1b3: {  	v16 =	vmul.u32 v38, v16;
	v39 =	vadd.s32 v13, v14  }
0x1b4: {  	v14 =	vshll.u32 v39, $0x1  }
0x1b5: {  	v16 =	vsub.s32 v16, v20;
	v14 =	vsub.s32 $0x1, v14  }
0x1b6: {  	v13 =	vshll.u32 v13, $0x1;
	v38 =	vmul.u32 v16, v14  }
0x1b7: {  	v13 =	vsub.s32 v21, v13  }
0x1b8: {  	v13 =	vmul.u32 v13, v38;
	_ =	sdelay $0x1  }
0x1b9: {  	v13 =	vadd.s32 v31, v13  }
0x1ba: {  	vm12 =	vgt.s32 v13, $0x0  }
0x1bb: {  	vm13 =	vlt.s32 v13, $0x0;
	v14 =	vsel vm12, $0x1, v26  }
0x1bc: {  	v31 =	vsel vm13, $0xFFFFFFFF, v14  }
0x1bd: {  	v13 =	vadd.s32 v4, v31  }
0x1be: {  	v14 =	vadd.s32 $0x1, v31  }
0x1bf: {  	v16 =	vmul.u32 $0x3, v14  }
0x1c0: {  	[tilespmem:s4+$0xBC80] =	vst v14  }
0x1c1: {  	[tilespmem:s4+$0xB680] =	vst v16  }
0x1c2: {  	v13 =	vld.idx.msk [tilespmem:v13+s16+$0x0], $0xffff;
	_ =	sdelay $0x4  }
0x1c3: {  	[tilespmem:s2+$0xCED8] =	vst v13  }
0x1c4: {  	v13 =	vld [tilespmem:s6+$0x90]  }
0x1c5: {  	v14 =	vld [tilespmem:s6+$0x130];
	_ =	sdelay $0x1  }
0x1c6: {  	v16 =	vld [tilespmem:s6+$0xE0]  }
0x1c7: {  	v41 =	vsub.s32 $0x1, v41  }
0x1c8: {  	v23 =	vmul.u32 v41, v29  }
0x1c9: {  	v32 =	vadd.s32 v13, v14  }
0x1ca: {  	v41 =	vmul.u32 v29, v23;
	v33 =	vsub.s32 $0x1, v32  }
0x1cb: {  	v13 =	vmul.u32 v13, v14;
	v14 =	vmul.u32 v16, v33  }
0x1cc: {  	v16 =	vsub.s32 $0x1, v41  }
0x1cd: {  	v16 =	vmul.u32 v59, v16;
	v41 =	vadd.s32 v13, v14  }
0x1ce: {  	v14 =	vshll.u32 v41, $0x1  }
0x1cf: {  	v16 =	vsub.s32 v16, v23;
	v14 =	vsub.s32 $0x1, v14  }
0x1d0: {  	v13 =	vshll.u32 v13, $0x1;
	v40 =	vmul.u32 v16, v14  }
0x1d1: {  	v13 =	vsub.s32 v32, v13  }
0x1d2: {  	v13 =	vmul.u32 v13, v40;
	_ =	sdelay $0x1  }
0x1d3: {  	v13 =	vadd.s32 v29, v13  }
0x1d4: {  	vm14 =	vgt.s32 v13, $0x0  }
0x1d5: {  	vm15 =	vlt.s32 v13, $0x0;
	v14 =	vsel vm14, $0x1, v26  }
0x1d6: {  	v29 =	vsel vm15, $0xFFFFFFFF, v14  }
0x1d7: {  	v13 =	vadd.s32 v5, v29  }
0x1d8: {  	v14 =	vadd.s32 $0x1, v29  }
0x1d9: {  	v16 =	vmul.u32 $0x3, v14  }
0x1da: {  	[tilespmem:s6+$0xBC90] =	vst v14  }
0x1db: {  	[tilespmem:s6+$0xB690] =	vst v16  }
0x1dc: {  	v13 =	vld.idx.msk [tilespmem:v13+s16+$0x0], $0xffff;
	_ =	sdelay $0x2  }
0x1dd: {  	[tilespmem:$0x1FE40] =	vst v63  }
0x1de: {  	[tilespmem:$0x1FE80] =	vst v1  }
0x1df: {  	s4 =	simm.s32 $0x6C0;
	[tilespmem:s2+$0xCEE8] =	vst v13  }
0x1e0: {  	v13 =	vld [tilespmem:s4+$0x30];
	_ =	sdelay $0x1  }
0x1e1: {  	s11 =	simm.s32 $0x10;
	v14 =	vld [tilespmem:s4+$0xFFFFFFD0]  }
0x1e2: {  	v45 =	vmov s11;
	v34 =	vld [tilespmem:s4+$0xFFFFFFE0]  }
0x1e3: {  	s13 =	simm.s32 $0x20;
	v45 =	vmul.u32 $0x9, v45;
	v35 =	vld [tilespmem:s4+$0xFFFFFFF0]  }
0x1e4: {  	v42 =	vmov s6;
	v46 =	vmov s13;
	v47 =	vld [tilespmem:s4+$0x0];
	v48 =	vshra.s32 v13, $0x7  }
0x1e5: {  	v46 =	vmul.u32 $0x9, v46;
	v54 =	vld [tilespmem:s4+$0xFFFFFFC0];
	v13 =	vand.u32 $0x7F, v13;
	v51 =	vadd.s32 v42, v48  }
0x1e6: {  	v45 =	vbroadcast v45, $0x0;
	v53 =	vshra.s32 v14, $0x7;
	v55 =	vadd.s32 v42, v13  }
0x1e7: {  	s14 =	simm.s32 $0x30;
	v46 =	vbroadcast v46, $0x0;
	v59 =	vshra.s32 v34, $0x7;
	v58 =	vadd.s32 v42, v53  }
0x1e8: {  	v49 =	vmov s14;
	v50 =	vld [tilespmem:s4+$0x10];
	v61 =	vshra.s32 v35, $0x7;
	v60 =	vadd.s32 v42, v59  }
0x1e9: {  	v49 =	vmul.u32 $0x9, v49;
	v57 =	vld [tilespmem:s4+$0x20];
	v17 =	vshra.s32 v47, $0x7;
	v63 =	vadd.s32 v42, v61  }
0x1ea: {  	v12 =	vadd.s32 v0, v46;
	v25 =	vshra.s32 v54, $0x7;
	v19 =	vadd.s32 v42, v17;
	v51 =	vld.idx.msk [tilespmem:v51+s19+$0x0], $0xffff  }
0x1eb: {  	v49 =	vbroadcast v49, $0x0;
	v54 =	vand.u32 $0x7F, v54;
	v1 =	vadd.s32 v42, v25;
	v55 =	vld.idx.msk [tilespmem:v55+s20+$0x0], $0xffff  }
0x1ec: {  	s13 =	simm.s32 $0x70;
	v43 =	vadd.s32 $0x50, v42;
	v14 =	vand.u32 $0x7F, v14;
	v3 =	vadd.s32 v42, v54;
	v58 =	vld.idx.msk [tilespmem:v58+s19+$0x0], $0xffff  }
0x1ed: {  	v22 =	vmov s13;
	v4 =	vand.u32 $0x7F, v34;
	v36 =	vadd.s32 v42, v14;
	v60 =	vld.idx.msk [tilespmem:v60+s19+$0x0], $0xffff  }
0x1ee: {  	s10 =	simm.s32 $0x0;
	v22 =	vmul.u32 $0x9, v22;
	v20 =	vshra.s32 v50, $0x7;
	v37 =	vadd.s32 v42, v4;
	v63 =	vld.idx.msk [tilespmem:v63+s19+$0x0], $0xffff  }
0x1ef: {  	v16 =	vmov s10;
	v8 =	vshra.s32 v57, $0x7;
	v23 =	vadd.s32 v42, v20;
	v19 =	vld.idx.msk [tilespmem:v19+s19+$0x0], $0xffff  }
0x1f0: {  	v16 =	vmul.u32 $0x9, v16;
	v57 =	vand.u32 $0x7F, v57;
	v2 =	vadd.s32 v42, v8;
	v1 =	vld.idx.msk [tilespmem:v1+s19+$0x0], $0xffff  }
0x1f1: {  	s11 =	simm.s32 $0x60;
	v22 =	vbroadcast v22, $0x0;
	v6 =	vand.u32 $0x7F, v35;
	v10 =	vadd.s32 v42, v57;
	v3 =	vld.idx.msk [tilespmem:v3+s20+$0x0], $0xffff  }
0x1f2: {  	v62 =	vmov s11;
	v16 =	vbroadcast v16, $0x0;
	v33 =	vadd.s32 v42, v6;
	v9 =	vld.idx.msk [tilespmem:v36+s20+$0x0], $0xffff  }
0x1f3: {  	v11 =	vadd.s32 v0, v45;
	v22 =	vadd.s32 v0, v22;
	v50 =	vand.u32 $0x7F, v50;
	v5 =	vld.idx.msk [tilespmem:v37+s20+$0x0], $0xffff  }
0x1f4: {  	s1 =	simm.s32 $0x50;
	v16 =	vadd.s32 v0, v16;
	v7 =	vadd.s32 v42, v50;
	v23 =	vld.idx.msk [tilespmem:v23+s19+$0x0], $0xffff;
	v51 =	vadd.s32 v22, v51  }
0x1f5: {  	v56 =	vmov s1;
	v2 =	vld.idx.msk [tilespmem:v2+s19+$0x0], $0xffff;
	v1 =	vadd.s32 v16, v1;
	v32 =	vadd.s32 v55, v51  }
0x1f6: {  	v34 =	vmul.u32 $0x9, v62;
	v10 =	vld.idx.msk [tilespmem:v10+s20+$0x0], $0xffff;
	v45 =	vadd.s32 v11, v58;
	v1 =	vadd.s32 v3, v1  }
0x1f7: {  	s1 =	simm.s32 $0x740;
	v46 =	vadd.s32 v12, v60;
	v51 =	vand.u32 $0x7F, v47;
	v47 =	vld.idx.msk [tilespmem:v33+s20+$0x0], $0xffff;
	v9 =	vadd.s32 v9, v45  }
0x1f8: {  	v60 =	vadd.s32 v43, v61;
	v61 =	vadd.s32 v43, v20;
	v20 =	vld [tilespmem:s1+$0x10];
	v5 =	vadd.s32 v5, v46  }
0x1f9: {  	v55 =	vbroadcast v34, $0x0;
	v3 =	vld.idx.msk [tilespmem:v7+s20+$0x0], $0xffff  }
0x1fa: {  	v7 =	vadd.s32 v0, v49;
	v44 =	vld.idx.msk [tilespmem:v32+s15+$0x0], $0xffff  }
0x1fb: {  	v35 =	vadd.s32 v42, v51;
	v36 =	vadd.s32 v7, v63;
	v45 =	vadd.s32 v0, v55;
	v1 =	vld.idx.msk [tilespmem:v1+s15+$0x0], $0xffff  }
0x1fc: {  	s22 =	simm.s32 $0x40;
	v2 =	vadd.s32 v45, v2;
	v37 =	vadd.s32 v47, v36;
	v9 =	vld.idx.msk [tilespmem:v9+s15+$0x0], $0xffff  }
0x1fd: {  	s14 =	sshll.u32 s26, $0x2;
	v52 =	vmov s22;
	s22 =	sand.u32 $0x7, s28;
	v56 =	vmul.u32 $0x9, v56;
	v2 =	vadd.s32 v10, v2;
	v5 =	vld.idx.msk [tilespmem:v5+s15+$0x0], $0xffff  }
0x1fe: {  	s6 =	sshll.u32 s22, $0x6;
	s4 =	sand.u32 $0xFFFFFE00, s14;
	v18 =	vshra.s32 v20, $0x7;
	v36 =	vld [tilespmem:s1+$0x30]  }
0x1ff: {  	v56 =	vbroadcast v56, $0x0;
	s4 =	sor.u32 s6, s4;
	v32 =	vadd.s32 v43, v54;
	v54 =	vld [tilespmem:s1+$0x20];
	v21 =	vadd.s32 v42, v18  }
0x200: {  	s4 =	sshrl.u32 s4, $0x2;
	v48 =	vadd.s32 v43, v48;
	v13 =	vadd.s32 v43, v13;
	v62 =	vld.idx.msk [tilespmem:v35+s20+$0x0], $0xffff  }
0x201: {  	v52 =	vmul.u32 $0x9, v52;
	s4 =	sadd.s32 $0xC200, s4;
	[tilespmem:s5+$0xFFFFF358] =	vst v44;
	v44 =	vadd.s32 v0, v56;
	v56 =	vadd.s32 v43, v25;
	v25 =	vld.idx.msk [tilespmem:v37+s15+$0x0], $0xffff  }
0x202: {  	v58 =	vadd.s32 v43, v53;
	[tilespmem:s4+$0x0] =	vst v1;
	v1 =	vld.idx.msk [tilespmem:v2+s15+$0x0], $0xffff  }
0x203: {  	v52 =	vbroadcast v52, $0x0;
	v37 =	vld [tilespmem:s1+$0xFFFFFFD0]  }
0x204: {  	v59 =	vadd.s32 v43, v59;
	v21 =	vld.idx.msk [tilespmem:v21+s19+$0x0], $0xffff  }
0x205: {  	v52 =	vadd.s32 v0, v52;
	v4 =	vadd.s32 v43, v4;
	v49 =	vld.idx.msk [tilespmem:v48+s19+$0x0], $0xffff  }
0x206: {  	v19 =	vadd.s32 v52, v19;
	[tilespmem:s5+$0xFFFFF2F8] =	vst v9;
	v13 =	vld.idx.msk [tilespmem:v13+s20+$0x0], $0xffff  }
0x207: {  	v2 =	vadd.s32 v43, v17;
	[tilespmem:s5+$0xFFFFF308] =	vst v5;
	v5 =	vand.u32 $0x7F, v36;
	v19 =	vadd.s32 v62, v19;
	v17 =	vld.idx.msk [tilespmem:v58+s19+$0x0], $0xffff  }
0x208: {  	v34 =	vld.idx.msk [tilespmem:v32+s20+$0x0], $0xffff;
	v32 =	vadd.s32 v42, v5  }
0x209: {  	v62 =	vadd.s32 v43, v8;
	v63 =	vld.idx.msk [tilespmem:v59+s19+$0x0], $0xffff  }
0x20a: {  	v35 =	vadd.s32 v43, v57;
	v23 =	vadd.s32 v44, v23;
	v4 =	vld.idx.msk [tilespmem:v4+s20+$0x0], $0xffff  }
0x20b: {  	v3 =	vadd.s32 v3, v23;
	v10 =	vld.idx.msk [tilespmem:v56+s19+$0x0], $0xffff  }
0x20c: {  	v24 =	vshra.s32 v54, $0x7;
	v19 =	vld.idx.msk [tilespmem:v19+s15+$0x0], $0xffff  }
0x20d: {  	[tilespmem:s5+$0xFFFFF348] =	vst v1;
	v22 =	vadd.s32 v22, v49;
	v55 =	vld.idx.msk [tilespmem:v32+s20+$0x0], $0xffff;
	v32 =	vadd.s32 v42, v24  }
0x20e: {  	v48 =	vld.idx.msk [tilespmem:v62+s19+$0x0], $0xffff;
	v13 =	vadd.s32 v13, v22  }
0x20f: {  	v1 =	vadd.s32 v43, v51;
	v51 =	vld.idx.msk [tilespmem:v35+s20+$0x0], $0xffff  }
0x210: {  	v3 =	vld.idx.msk [tilespmem:v3+s15+$0x0], $0xffff  }
0x211: {  	v10 =	vadd.s32 v16, v10;
	v16 =	vld [tilespmem:s1+$0xFFFFFFE0]  }
0x212: {  	v32 =	vld.idx.msk [tilespmem:v32+s19+$0x0], $0xffff  }
0x213: {  	[tilespmem:s5+$0xFFFFF318] =	vst v25;
	v46 =	vld.idx.msk [tilespmem:v13+s15+$0x0], $0xffff;
	v13 =	vadd.s32 v43, v14  }
0x214: {  	[tilespmem:s5+$0xFFFFF328] =	vst v19;
	v14 =	vld.idx.msk [tilespmem:v60+s19+$0x0], $0xffff  }
0x215: {  	[tilespmem:s5+$0xFFFFF338] =	vst v3;
	v2 =	vld.idx.msk [tilespmem:v2+s19+$0x0], $0xffff;
	v3 =	vadd.s32 v43, v6  }
0x216: {  	v33 =	vadd.s32 v43, v50;
	v8 =	vadd.s32 v12, v63;
	v1 =	vld.idx.msk [tilespmem:v1+s20+$0x0], $0xffff  }
0x217: {  	v4 =	vadd.s32 v4, v8;
	v6 =	vadd.s32 v34, v10;
	v10 =	vld [tilespmem:s1+$0xFFFFFFF0]  }
0x218: {  	v8 =	vshra.s32 v36, $0x7;
	v13 =	vld.idx.msk [tilespmem:v13+s20+$0x0], $0xffff  }
0x219: {  	v63 =	vadd.s32 v42, v8;
	v7 =	vadd.s32 v7, v14;
	v14 =	vld [tilespmem:s1+$0xFFFFFFC0]  }
0x21a: {  	v25 =	vshra.s32 v37, $0x7;
	v3 =	vld.idx.msk [tilespmem:v3+s20+$0x0], $0xffff  }
0x21b: {  	s14 =	simm.s32 $0x90;
	v20 =	vand.u32 $0x7F, v20;
	v49 =	vld.idx.msk [tilespmem:v33+s20+$0x0], $0xffff;
	v33 =	vadd.s32 v42, v25  }
0x21c: {  	v11 =	vadd.s32 v11, v17;
	v17 =	vmov s14;
	v50 =	vld.idx.msk [tilespmem:v4+s15+$0x0], $0xffff;
	v57 =	vshra.s32 v16, $0x7  }
0x21d: {  	v54 =	vand.u32 $0x7F, v54;
	v34 =	vmul.u32 $0x9, v17;
	v47 =	vld.idx.msk [tilespmem:v61+s19+$0x0], $0xffff;
	v17 =	vadd.s32 v42, v57  }
0x21e: {  	v22 =	vld.idx.msk [tilespmem:v63+s19+$0x0], $0xffff;
	v16 =	vand.u32 $0x7F, v16;
	v11 =	vadd.s32 v13, v11;
	v4 =	vshra.s32 v14, $0x7  }
0x21f: {  	s11 =	simm.s32 $0xB0;
	v53 =	vld.idx.msk [tilespmem:v6+s15+$0x0], $0xffff;
	v14 =	vand.u32 $0x7F, v14;
	v3 =	vadd.s32 v3, v7;
	v7 =	vadd.s32 v42, v16  }
0x220: {  	s13 =	simm.s32 $0x80;
	v23 =	vmov s11;
	v9 =	vand.u32 $0x7F, v37;
	v56 =	vld.idx.msk [tilespmem:v33+s19+$0x0], $0xffff;
	v36 =	vadd.s32 v42, v14  }
0x221: {  	v23 =	vmul.u32 $0x9, v23;
	v12 =	vmov s13;
	v37 =	vadd.s32 v42, v9;
	v13 =	vld [tilespmem:s1+$0x0];
	s1 =	simm.s32 $0xF0  }
0x222: {  	v12 =	vmul.u32 $0x9, v12;
	v17 =	vld.idx.msk [tilespmem:v17+s19+$0x0], $0xffff;
	v35 =	vmov s1;
	v60 =	vadd.s32 v42, v4  }
0x223: {  	s22 =	simm.s32 $0xA0;
	v2 =	vadd.s32 v52, v2;
	v33 =	vadd.s32 v42, v20;
	v59 =	vmul.u32 $0x9, v35;
	v52 =	vld.idx.msk [tilespmem:v11+s15+$0x0], $0xffff  }
0x224: {  	v12 =	vbroadcast v12, $0x0;
	v19 =	vmov s22;
	v1 =	vadd.s32 v1, v2;
	v7 =	vld.idx.msk [tilespmem:v7+s20+$0x0], $0xffff  }
0x225: {  	v58 =	vshra.s32 v10, $0x7;
	v6 =	vbroadcast v34, $0x0;
	v59 =	vbroadcast v59, $0x0;
	v61 =	vld.idx.msk [tilespmem:v36+s20+$0x0], $0xffff  }
0x226: {  	v2 =	vand.u32 $0x7F, v10;
	v11 =	vmul.u32 $0x9, v19;
	v19 =	vadd.s32 v42, v58;
	v36 =	vld.idx.msk [tilespmem:v37+s20+$0x0], $0xffff  }
0x227: {  	v62 =	vshra.s32 v13, $0x7;
	v59 =	vadd.s32 v0, v59;
	v60 =	vld.idx.msk [tilespmem:v60+s19+$0x0], $0xffff;
	v37 =	vadd.s32 v42, v2  }
0x228: {  	v33 =	vld.idx.msk [tilespmem:v33+s20+$0x0], $0xffff;
	v15 =	vadd.s32 v42, v62;
	v22 =	vadd.s32 v59, v22;
	v11 =	vbroadcast v11, $0x0  }
0x229: {  	v6 =	vadd.s32 v0, v6;
	v1 =	vld.idx.msk [tilespmem:v1+s15+$0x0], $0xffff;
	v13 =	vand.u32 $0x7F, v13;
	v10 =	vadd.s32 v55, v22  }
0x22a: {  	v56 =	vadd.s32 v6, v56;
	v3 =	vld.idx.msk [tilespmem:v3+s15+$0x0], $0xffff;
	v63 =	vadd.s32 v42, v13;
	v11 =	vadd.s32 v0, v11  }
0x22b: {  	v12 =	vadd.s32 v0, v12;
	v19 =	vld.idx.msk [tilespmem:v19+s19+$0x0], $0xffff;
	v17 =	vadd.s32 v11, v17;
	v22 =	vadd.s32 v36, v56  }
0x22c: {  	s10 =	simm.s32 $0xC0;
	v23 =	vbroadcast v23, $0x0;
	v60 =	vadd.s32 v12, v60;
	v55 =	vld.idx.msk [tilespmem:v37+s20+$0x0], $0xffff;
	v7 =	vadd.s32 v7, v17  }
0x22d: {  	s13 =	simm.s32 $0xE0;
	v15 =	vld.idx.msk [tilespmem:v15+s19+$0x0], $0xffff;
	v36 =	vmov s10;
	v60 =	vadd.s32 v61, v60;
	v61 =	vadd.s32 v42, v54  }
0x22e: {  	s11 =	simm.s32 $0xD0;
	v23 =	vadd.s32 v0, v23;
	v56 =	vmul.u32 $0x9, v36;
	v36 =	vmov s13;
	v10 =	vld.idx.msk [tilespmem:v10+s15+$0x0], $0xffff  }
0x22f: {  	v8 =	vadd.s32 v43, v8;
	v37 =	vmov s11;
	v63 =	vld.idx.msk [tilespmem:v63+s20+$0x0], $0xffff;
	v35 =	vmul.u32 $0x9, v36  }
0x230: {  	v5 =	vadd.s32 v43, v5;
	v34 =	vmul.u32 $0x9, v37;
	v19 =	vadd.s32 v23, v19;
	v22 =	vld.idx.msk [tilespmem:v22+s15+$0x0], $0xffff  }
0x231: {  	v56 =	vbroadcast v56, $0x0;
	v37 =	vbroadcast v35, $0x0;
	v19 =	vadd.s32 v55, v19;
	v7 =	vld.idx.msk [tilespmem:v7+s15+$0x0], $0xffff  }
0x232: {  	v9 =	vadd.s32 v43, v9;
	v25 =	vadd.s32 v43, v25;
	s11 =	sadd.s32 $0x80, s5;
	v17 =	vbroadcast v34, $0x0;
	v61 =	vld.idx.msk [tilespmem:v61+s20+$0x0], $0xffff  }
0x233: {  	v36 =	vadd.s32 v0, v56;
	[tilespmem:s11+$0xFFFFF358] =	vst v10;
	v10 =	vadd.s32 v0, v37;
	v37 =	vld.idx.msk [tilespmem:v60+s15+$0x0], $0xffff  }
0x234: {  	v16 =	vadd.s32 v43, v16;
	v17 =	vadd.s32 v0, v17;
	v15 =	vadd.s32 v36, v15;
	v8 =	vld.idx.msk [tilespmem:v8+s19+$0x0], $0xffff  }
0x235: {  	v21 =	vadd.s32 v17, v21;
	v15 =	vadd.s32 v63, v15;
	v5 =	vld.idx.msk [tilespmem:v5+s20+$0x0], $0xffff  }
0x236: {  	v21 =	vadd.s32 v33, v21;
	v19 =	vld.idx.msk [tilespmem:v19+s15+$0x0], $0xffff;
	[tilespmem:s11+$0xFFFFF2F8] =	vst v22  }
0x237: {  	v4 =	vadd.s32 v43, v4;
	v22 =	vld.idx.msk [tilespmem:v25+s19+$0x0], $0xffff  }
0x238: {  	v14 =	vadd.s32 v43, v14;
	v32 =	vadd.s32 v10, v32;
	[tilespmem:s11+$0xFFFFF308] =	vst v7;
	v9 =	vld.idx.msk [tilespmem:v9+s20+$0x0], $0xffff  }
0x239: {  	v32 =	vadd.s32 v61, v32;
	v16 =	vld.idx.msk [tilespmem:v16+s20+$0x0], $0xffff  }
0x23a: {  	v57 =	vadd.s32 v43, v57;
	s13 =	sadd.s32 $0x80, s4;
	v15 =	vld.idx.msk [tilespmem:v15+s15+$0x0], $0xffff  }
0x23b: {  	v60 =	vadd.s32 v43, v58;
	v21 =	vld.idx.msk [tilespmem:v21+s15+$0x0], $0xffff;
	[tilespmem:s13+$0x0] =	vst v37  }
0x23c: {  	v61 =	vadd.s32 v43, v62;
	v4 =	vld.idx.msk [tilespmem:v4+s19+$0x0], $0xffff  }
0x23d: {  	v18 =	vadd.s32 v43, v18;
	s14 =	sshll.u32 s29, $0x2;
	s22 =	sand.u32 $0xF, s30;
	v14 =	vld.idx.msk [tilespmem:v14+s20+$0x0], $0xffff  }
0x23e: {  	s6 =	sshll.u32 s22, $0x5;
	v13 =	vadd.s32 v43, v13;
	s4 =	sand.u32 $0xFFFFFE00, s14;
	v32 =	vld.idx.msk [tilespmem:v32+s15+$0x0], $0xffff  }
0x23f: {  	v2 =	vadd.s32 v43, v2;
	s4 =	sor.u32 s6, s4;
	s6 =	simm.s32 $0x100;
	v62 =	vadd.s32 v43, v24;
	[tilespmem:s11+$0xFFFFF318] =	vst v19;
	v19 =	vld.idx.msk [tilespmem:v57+s19+$0x0], $0xffff  }
0x240: {  	s22 =	simm.s32 $0x120;
	v35 =	vmov s6;
	v24 =	vadd.s32 v45, v48;
	v8 =	vadd.s32 v59, v8;
	[tilespmem:s11+$0xFFFFF328] =	vst v15;
	v15 =	vld.idx.msk [tilespmem:v60+s19+$0x0], $0xffff  }
0x241: {  	v24 =	vadd.s32 v51, v24;
	v37 =	vmov s22;
	v5 =	vadd.s32 v5, v8;
	[tilespmem:s11+$0xFFFFF338] =	vst v21;
	v63 =	vld.idx.msk [tilespmem:v61+s19+$0x0], $0xffff  }
0x242: {  	[tilespmem:s5+$0xFFFFFFC0] =	vst v3;
	v3 =	vmul.u32 $0x9, v37;
	v6 =	vadd.s32 v6, v22;
	v33 =	vld.idx.msk [tilespmem:v18+s19+$0x0], $0xffff;
	v18 =	vadd.s32 v44, v47  }
0x243: {  	s22 =	simm.s32 $0x140;
	v8 =	vmul.u32 $0x9, v35;
	v4 =	vadd.s32 v12, v4;
	v12 =	vadd.s32 v43, v20;
	v55 =	vld.idx.msk [tilespmem:v13+s20+$0x0], $0xffff;
	[tilespmem:s11+$0xFFFFF348] =	vst v32  }
0x244: {  	v13 =	vmov s22;
	v11 =	vadd.s32 v11, v19;
	v19 =	vadd.s32 v43, v54;
	v7 =	vld.idx.msk [tilespmem:v62+s19+$0x0], $0xffff  }
0x245: {  	v2 =	vld.idx.msk [tilespmem:v2+s20+$0x0], $0xffff;
	v61 =	vadd.s32 v9, v6;
	s22 =	simm.s32 $0x160;
	v18 =	vadd.s32 v49, v18;
	v59 =	vadd.s32 v14, v4  }
0x246: {  	[tilespmem:s5+$0x0] =	vst v46;
	v5 =	vld.idx.msk [tilespmem:v5+s15+$0x0], $0xffff;
	v46 =	vmov s22;
	v56 =	vmul.u32 $0x9, v13;
	v13 =	vbroadcast v8, $0x0  }
0x247: {  	s1 =	simm.s32 $0x110;
	[tilespmem:s5+$0xFFFFFFA0] =	vst v52;
	v52 =	vld.idx.msk [tilespmem:v24+s15+$0x0], $0xffff;
	v58 =	vmul.u32 $0x9, v46;
	v15 =	vadd.s32 v23, v15;
	v62 =	vadd.s32 v16, v11  }
0x248: {  	[tilespmem:s5+$0xFFFFFFB0] =	vst v50;
	s4 =	sshrl.u32 s4, $0x2;
	v54 =	vadd.s32 v36, v63;
	v47 =	vadd.s32 v17, v33;
	v36 =	vmov s1;
	s1 =	simm.s32 $0x130;
	v49 =	vld.idx.msk [tilespmem:v12+s20+$0x0], $0xffff  }
0x249: {  	[tilespmem:s5+$0xFFFFFFD0] =	vst v1;
	s14 =	sadd.s32 $0xC208, s4;
	v44 =	vmov s1;
	s1 =	simm.s32 $0x150;
	v50 =	vld.idx.msk [tilespmem:v19+s20+$0x0], $0xffff;
	v48 =	vadd.s32 v10, v7;
	v7 =	vmul.u32 $0x9, v36  }
0x24a: {  	s10 =	simm.s32 $0x7C0;
	[tilespmem:s14+$0x0] =	vst v53;
	v63 =	vbroadcast v3, $0x0;
	v51 =	vld.idx.msk [tilespmem:v18+s15+$0x0], $0xffff;
	v45 =	vmov s1;
	v60 =	vmul.u32 $0x9, v44  }
0x24b: {  	s31 =	smov.u32 s5;
	s4 =	simm.s32 $0x180;
	v16 =	vld [tilespmem:s10+$0x30];
	[tilespmem:s11+$0x0] =	vst v5;
	v44 =	vadd.s32 v2, v15;
	v57 =	vmul.u32 $0x9, v45;
	v14 =	vbroadcast v7, $0x0  }
.LBB2_6:
0x24c: {  	p0 =	slt.u32 s4, $0xB80;
	v1 =	vld [tilespmem:s10+$0xFFFFFFD0];
	v2 =	vbroadcast v60, $0x0;
	v3 =	vbroadcast v56, $0x0;
	v56 =	vadd.s32 v55, v54  }
0x24d: {  	v5 =	vbroadcast v57, $0x0;
	v6 =	vbroadcast v58, $0x0;
	v46 =	vadd.s32 v49, v47;
	v4 =	vld [tilespmem:s10+$0xFFFFFFE0]  }
0x24e: {  	v55 =	vadd.s32 v0, v13;
	v53 =	vadd.s32 v0, v14;
	v45 =	vadd.s32 v50, v48;
	v7 =	vld [tilespmem:s10+$0xFFFFFFF0]  }
0x24f: {  	v54 =	vadd.s32 v0, v63;
	v50 =	vadd.s32 v0, v2;
	v49 =	vadd.s32 v0, v3;
	v2 =	vld [tilespmem:s10+$0x0];
	[tilespmem:s31+$0xFFFFFFE0] =	vst v51  }
0x250: {  	v47 =	vadd.s32 v0, v5;
	v48 =	vadd.s32 v0, v6;
	v3 =	vld [tilespmem:s10+$0x10];
	v5 =	vshra.s32 v16, $0x7;
	[tilespmem:s31+$0xFFFFFFF0] =	vst v52;
	s31 =	smov.u32 s11  }
0x251: {  	v10 =	vand.u32 $0x7F, v16;
	v6 =	vshra.s32 v1, $0x7;
	v8 =	vld [tilespmem:s10+$0x20];
	v9 =	vadd.s32 v42, v5  }
0x252: {  	v14 =	vadd.s32 v42, v10;
	v11 =	vld [tilespmem:s10+$0xFFFFFFC0];
	v12 =	vadd.s32 v42, v6;
	v13 =	vshra.s32 v4, $0x7  }
0x253: {  	v1 =	vand.u32 $0x7F, v1;
	v15 =	vadd.s32 v42, v13;
	v16 =	vshra.s32 v7, $0x7;
	v17 =	vld.idx.msk [tilespmem:v59+s15+$0x0], $0xffff  }
0x254: {  	v4 =	vand.u32 $0x7F, v4;
	v18 =	vadd.s32 v42, v16;
	v19 =	vshra.s32 v2, $0x7;
	v20 =	vld.idx.msk [tilespmem:v61+s15+$0x0], $0xffff  }
0x255: {  	s22 =	sadd.s32 $0x70, s6;
	s6 =	smov.u32 s4;
	v7 =	vand.u32 $0x7F, v7;
	v21 =	vadd.s32 v42, v19;
	v22 =	vshra.s32 v3, $0x7;
	v23 =	vld.idx.msk [tilespmem:v62+s15+$0x0], $0xffff  }
0x256: {  	v32 =	vmov s22;
	v24 =	vadd.s32 v42, v22;
	v25 =	vshra.s32 v8, $0x7;
	v9 =	vld.idx.msk [tilespmem:v9+s19+$0x0], $0xffff  }
0x257: {  	v32 =	vmul.u32 $0x9, v32;
	v33 =	vshra.s32 v11, $0x7;
	v34 =	vadd.s32 v42, v25;
	v14 =	vld.idx.msk [tilespmem:v14+s20+$0x0], $0xffff  }
0x258: {  	s14 =	sadd.s32 $0x80, s14;
	v2 =	vand.u32 $0x7F, v2;
	v11 =	vand.u32 $0x7F, v11;
	v35 =	vadd.s32 v42, v33;
	v12 =	vld.idx.msk [tilespmem:v12+s19+$0x0], $0xffff  }
0x259: {  	v32 =	vbroadcast v32, $0x0;
	v3 =	vand.u32 $0x7F, v3;
	v8 =	vand.u32 $0x7F, v8;
	v15 =	vld.idx.msk [tilespmem:v15+s19+$0x0], $0xffff;
	[tilespmem:s14+$0x0] =	vst v17  }
0x25a: {  	v51 =	vadd.s32 v42, v1;
	v52 =	vadd.s32 v42, v4;
	v17 =	vadd.s32 v42, v11;
	v18 =	vld.idx.msk [tilespmem:v18+s19+$0x0], $0xffff  }
0x25b: {  	v32 =	vadd.s32 v0, v32;
	v57 =	vadd.s32 v42, v7;
	v58 =	vadd.s32 v42, v2;
	v21 =	vld.idx.msk [tilespmem:v21+s19+$0x0], $0xffff  }
0x25c: {  	v59 =	vadd.s32 v42, v3;
	v60 =	vadd.s32 v42, v8;
	v9 =	vadd.s32 v32, v9;
	v24 =	vld.idx.msk [tilespmem:v24+s19+$0x0], $0xffff  }
0x25d: {  	v6 =	vadd.s32 v43, v6;
	v33 =	vadd.s32 v43, v33;
	v9 =	vadd.s32 v14, v9;
	v35 =	vld.idx.msk [tilespmem:v35+s19+$0x0], $0xffff  }
0x25e: {  	v13 =	vadd.s32 v43, v13;
	v14 =	vadd.s32 v43, v16;
	v12 =	vadd.s32 v53, v12;
	v16 =	vld.idx.msk [tilespmem:v34+s19+$0x0], $0xffff  }
0x25f: {  	v19 =	vadd.s32 v43, v19;
	v22 =	vadd.s32 v43, v22;
	v15 =	vadd.s32 v54, v15;
	v17 =	vld.idx.msk [tilespmem:v17+s20+$0x0], $0xffff  }
0x260: {  	v25 =	vadd.s32 v43, v25;
	v11 =	vadd.s32 v43, v11;
	v18 =	vadd.s32 v50, v18;
	v34 =	vld.idx.msk [tilespmem:v51+s20+$0x0], $0xffff  }
0x261: {  	v1 =	vadd.s32 v43, v1;
	v4 =	vadd.s32 v43, v4;
	v21 =	vadd.s32 v49, v21;
	v51 =	vld.idx.msk [tilespmem:v52+s20+$0x0], $0xffff  }
0x262: {  	v7 =	vadd.s32 v43, v7;
	v2 =	vadd.s32 v43, v2;
	v24 =	vadd.s32 v47, v24;
	v9 =	vld.idx.msk [tilespmem:v9+s15+$0x0], $0xffff  }
0x263: {  	v3 =	vadd.s32 v43, v3;
	v8 =	vadd.s32 v43, v8;
	v35 =	vadd.s32 v55, v35;
	v52 =	vld.idx.msk [tilespmem:v57+s20+$0x0], $0xffff  }
0x264: {  	v5 =	vadd.s32 v43, v5;
	v16 =	vadd.s32 v48, v16;
	v57 =	vld.idx.msk [tilespmem:v58+s20+$0x0], $0xffff;
	[tilespmem:s11+$0xFFFFFFA0] =	vst v20  }
0x265: {  	v10 =	vadd.s32 v43, v10;
	v17 =	vadd.s32 v17, v35;
	v20 =	vld.idx.msk [tilespmem:v59+s20+$0x0], $0xffff;
	[tilespmem:s11+$0xFFFFFFB0] =	vst v23  }
0x266: {  	v12 =	vadd.s32 v34, v12;
	v23 =	vld.idx.msk [tilespmem:v60+s20+$0x0], $0xffff  }
0x267: {  	s11 =	sadd.s32 $0x80, s11;
	v15 =	vadd.s32 v51, v15;
	v34 =	vld.idx.msk [tilespmem:v44+s15+$0x0], $0xffff  }
0x268: {  	[tilespmem:s11+$0xFFFFF358] =	vst v9;
	v9 =	vld.idx.msk [tilespmem:v56+s15+$0x0], $0xffff  }
0x269: {  	v18 =	vadd.s32 v52, v18;
	v5 =	vld.idx.msk [tilespmem:v5+s19+$0x0], $0xffff  }
0x26a: {  	v21 =	vadd.s32 v57, v21;
	v10 =	vld.idx.msk [tilespmem:v10+s20+$0x0], $0xffff  }
0x26b: {  	v20 =	vadd.s32 v20, v24;
	v17 =	vld.idx.msk [tilespmem:v17+s15+$0x0], $0xffff  }
0x26c: {  	v16 =	vadd.s32 v23, v16;
	v12 =	vld.idx.msk [tilespmem:v12+s15+$0x0], $0xffff  }
0x26d: {  	v15 =	vld.idx.msk [tilespmem:v15+s15+$0x0], $0xffff;
	[tilespmem:s31+$0xFFFFFFC0] =	vst v34  }
0x26e: {  	v18 =	vld.idx.msk [tilespmem:v18+s15+$0x0], $0xffff;
	[tilespmem:s31+$0xFFFFFFD0] =	vst v9  }
0x26f: {  	v5 =	vadd.s32 v32, v5;
	v9 =	vld.idx.msk [tilespmem:v21+s15+$0x0], $0xffff  }
0x270: {  	s13 =	sadd.s32 $0x80, s13;
	v5 =	vadd.s32 v10, v5;
	v20 =	vld.idx.msk [tilespmem:v20+s15+$0x0], $0xffff  }
0x271: {  	[tilespmem:s13+$0x0] =	vst v17;
	v10 =	vld.idx.msk [tilespmem:v16+s15+$0x0], $0xffff  }
0x272: {  	v16 =	vld.idx.msk [tilespmem:v33+s19+$0x0], $0xffff;
	[tilespmem:s11+$0xFFFFF2F8] =	vst v12  }
0x273: {  	v6 =	vld.idx.msk [tilespmem:v6+s19+$0x0], $0xffff;
	[tilespmem:s11+$0xFFFFF308] =	vst v15  }
0x274: {  	v12 =	vld.idx.msk [tilespmem:v13+s19+$0x0], $0xffff;
	[tilespmem:s11+$0xFFFFF318] =	vst v18  }
0x275: {  	[tilespmem:s11+$0xFFFFF328] =	vst v9;
	v5 =	vld.idx.msk [tilespmem:v5+s15+$0x0], $0xffff  }
0x276: {  	v9 =	vld.idx.msk [tilespmem:v14+s19+$0x0], $0xffff;
	[tilespmem:s11+$0xFFFFF338] =	vst v20  }
0x277: {  	v13 =	vld.idx.msk [tilespmem:v19+s19+$0x0], $0xffff;
	[tilespmem:s11+$0xFFFFF348] =	vst v10  }
0x278: {  	v10 =	vadd.s32 v55, v16;
	v14 =	vld.idx.msk [tilespmem:v22+s19+$0x0], $0xffff  }
0x279: {  	v6 =	vadd.s32 v53, v6;
	v15 =	vld.idx.msk [tilespmem:v25+s19+$0x0], $0xffff  }
0x27a: {  	v12 =	vadd.s32 v54, v12;
	v11 =	vld.idx.msk [tilespmem:v11+s20+$0x0], $0xffff  }
0x27b: {  	s22 =	sadd.s32 $0x10, s4;
	v16 =	vmov s4;
	v1 =	vld.idx.msk [tilespmem:v1+s20+$0x0], $0xffff;
	[tilespmem:s11+$0x0] =	vst v5  }
0x27c: {  	s1 =	sadd.s32 $0x30, s4;
	v5 =	vmul.u32 $0x9, v16;
	v16 =	vmov s22;
	s22 =	sadd.s32 $0x20, s4;
	v9 =	vadd.s32 v50, v9;
	v4 =	vld.idx.msk [tilespmem:v4+s20+$0x0], $0xffff  }
0x27d: {  	v18 =	vmov s1;
	s1 =	sadd.s32 $0x40, s4;
	v17 =	vmov s22;
	s22 =	sadd.s32 $0x50, s4;
	v54 =	vadd.s32 v49, v13;
	v7 =	vld.idx.msk [tilespmem:v7+s20+$0x0], $0xffff  }
0x27e: {  	v13 =	vmov s1;
	s1 =	sadd.s32 $0x60, s4;
	v19 =	vmov s22;
	v47 =	vadd.s32 v47, v14;
	v55 =	vld.idx.msk [tilespmem:v2+s20+$0x0], $0xffff  }
.Ltmp1:
0x27f: {  	v14 =	vmov s1;
	v2 =	vmul.u32 $0x9, v16;
	v48 =	vadd.s32 v48, v15;
	v49 =	vld.idx.msk [tilespmem:v3+s20+$0x0], $0xffff;
	(pc) =	sbr.rel @p0 .LBB2_6-.Ltmp1, $4  }
0x280: {  	v60 =	vmul.u32 $0x9, v18;
	v3 =	vmul.u32 $0x9, v17;
	v59 =	vadd.s32 v11, v10;
	v50 =	vld.idx.msk [tilespmem:v8+s20+$0x0], $0xffff  }
0x281: {  	v56 =	vmul.u32 $0x9, v13;
	v57 =	vmul.u32 $0x9, v19;
	v61 =	vadd.s32 v1, v6;
	v51 =	vld.idx.msk [tilespmem:v46+s15+$0x0], $0xffff  }
0x282: {  	s10 =	sadd.s32 $0x80, s10;
	v13 =	vbroadcast v5, $0x0;
	v58 =	vmul.u32 $0x9, v14;
	v62 =	vadd.s32 v4, v12;
	v52 =	vld.idx.msk [tilespmem:v45+s15+$0x0], $0xffff  }
0x283: {  	s4 =	sadd.s32 $0x80, s4;
	v14 =	vbroadcast v2, $0x0;
	v63 =	vbroadcast v3, $0x0;
	v44 =	vadd.s32 v7, v9;
	v16 =	vld [tilespmem:s10+$0x30]  }
0x284: {  	v1 =	vld [tilespmem:s10+$0xFFFFFFD0]  }
0x285: {  	v2 =	vld [tilespmem:s10+$0xFFFFFFE0]  }
0x286: {  	v3 =	vld [tilespmem:s10+$0xFFFFFFF0]  }
0x287: {  	v4 =	vld [tilespmem:s10+$0x0]  }
0x288: {  	v5 =	vld [tilespmem:s10+$0x10]  }
0x289: {  	v7 =	vld [tilespmem:s10+$0x20]  }
0x28a: {  	v11 =	vld [tilespmem:s10+$0xFFFFFFC0];
	v54 =	vadd.s32 v55, v54;
	v6 =	vshra.s32 v16, $0x7  }
0x28b: {  	v53 =	vld.idx.msk [tilespmem:v59+s15+$0x0], $0xffff;
	v9 =	vand.u32 $0x7F, v16;
	v8 =	vadd.s32 v42, v6  }
0x28c: {  	v45 =	vld.idx.msk [tilespmem:v61+s15+$0x0], $0xffff;
	v10 =	vshra.s32 v1, $0x7;
	v12 =	vadd.s32 v42, v9  }
0x28d: {  	v46 =	vld.idx.msk [tilespmem:v62+s15+$0x0], $0xffff;
	v16 =	vshra.s32 v2, $0x7;
	v15 =	vadd.s32 v42, v10  }
0x28e: {  	v44 =	vld.idx.msk [tilespmem:v44+s15+$0x0], $0xffff;
	v18 =	vshra.s32 v3, $0x7;
	v17 =	vadd.s32 v42, v16  }
0x28f: {  	v20 =	vshra.s32 v4, $0x7;
	v54 =	vld.idx.msk [tilespmem:v54+s15+$0x0], $0xffff;
	v19 =	vadd.s32 v42, v18  }
0x290: {  	v25 =	vshra.s32 v11, $0x7;
	v21 =	vadd.s32 v42, v20;
	v8 =	vld.idx.msk [tilespmem:v8+s19+$0x0], $0xffff  }
0x291: {  	v11 =	vand.u32 $0x7F, v11;
	v32 =	vadd.s32 v42, v25;
	v12 =	vld.idx.msk [tilespmem:v12+s20+$0x0], $0xffff  }
0x292: {  	s1 =	sadd.s32 $0x70, s6;
	v1 =	vand.u32 $0x7F, v1;
	v34 =	vadd.s32 v42, v11;
	v15 =	vld.idx.msk [tilespmem:v15+s19+$0x0], $0xffff  }
0x293: {  	v23 =	vmov s1;
	v4 =	vand.u32 $0x7F, v4;
	v59 =	vadd.s32 v42, v1;
	v17 =	vld.idx.msk [tilespmem:v17+s19+$0x0], $0xffff  }
0x294: {  	v23 =	vmul.u32 $0x9, v23;
	v2 =	vand.u32 $0x7F, v2;
	v62 =	vadd.s32 v42, v4;
	v19 =	vld.idx.msk [tilespmem:v19+s19+$0x0], $0xffff  }
0x295: {  	v22 =	vshra.s32 v5, $0x7;
	v61 =	vadd.s32 v42, v2;
	v21 =	vld.idx.msk [tilespmem:v21+s19+$0x0], $0xffff  }
0x296: {  	v23 =	vbroadcast v23, $0x0;
	v33 =	vshra.s32 v7, $0x7;
	v24 =	vadd.s32 v42, v22;
	v32 =	vld.idx.msk [tilespmem:v32+s19+$0x0], $0xffff  }
0x297: {  	v13 =	vadd.s32 v0, v13;
	v5 =	vand.u32 $0x7F, v5;
	v35 =	vadd.s32 v42, v33;
	v34 =	vld.idx.msk [tilespmem:v34+s20+$0x0], $0xffff  }
0x298: {  	v7 =	vand.u32 $0x7F, v7;
	v23 =	vadd.s32 v0, v23;
	v36 =	vadd.s32 v42, v5;
	v59 =	vld.idx.msk [tilespmem:v59+s20+$0x0], $0xffff  }
0x299: {  	v56 =	vbroadcast v56, $0x0;
	v37 =	vadd.s32 v42, v7;
	v55 =	vld.idx.msk [tilespmem:v62+s20+$0x0], $0xffff;
	v8 =	vadd.s32 v23, v8  }
0x29a: {  	v14 =	vadd.s32 v0, v14;
	v3 =	vand.u32 $0x7F, v3;
	v61 =	vld.idx.msk [tilespmem:v61+s20+$0x0], $0xffff;
	v8 =	vadd.s32 v12, v8  }
0x29b: {  	v56 =	vadd.s32 v0, v56;
	v24 =	vld.idx.msk [tilespmem:v24+s19+$0x0], $0xffff;
	v12 =	vadd.s32 v42, v3;
	v32 =	vadd.s32 v13, v32  }
0x29c: {  	v35 =	vld.idx.msk [tilespmem:v35+s19+$0x0], $0xffff;
	v15 =	vadd.s32 v14, v15;
	v21 =	vadd.s32 v56, v21;
	v32 =	vadd.s32 v34, v32  }
0x29d: {  	v36 =	vld.idx.msk [tilespmem:v36+s20+$0x0], $0xffff;
	v34 =	vbroadcast v60, $0x0;
	v60 =	vadd.s32 v0, v63;
	v15 =	vadd.s32 v59, v15  }
0x29e: {  	v37 =	vld.idx.msk [tilespmem:v37+s20+$0x0], $0xffff;
	v21 =	vadd.s32 v55, v21;
	v17 =	vadd.s32 v60, v17  }
0x29f: {  	v17 =	vadd.s32 v61, v17;
	v8 =	vld.idx.msk [tilespmem:v8+s15+$0x0], $0xffff  }
0x2a0: {  	v6 =	vadd.s32 v43, v6;
	v12 =	vld.idx.msk [tilespmem:v12+s20+$0x0], $0xffff  }
0x2a1: {  	v9 =	vadd.s32 v43, v9;
	v32 =	vld.idx.msk [tilespmem:v32+s15+$0x0], $0xffff  }
0x2a2: {  	v25 =	vadd.s32 v43, v25;
	v15 =	vld.idx.msk [tilespmem:v15+s15+$0x0], $0xffff  }
0x2a3: {  	v57 =	vbroadcast v57, $0x0;
	s4 =	sadd.s32 $0x80, s11;
	v10 =	vadd.s32 v43, v10;
	v21 =	vld.idx.msk [tilespmem:v21+s15+$0x0], $0xffff  }
0x2a4: {  	v20 =	vadd.s32 v43, v20;
	v17 =	vld.idx.msk [tilespmem:v17+s15+$0x0], $0xffff;
	[tilespmem:s4+$0xFFFFF358] =	vst v8  }
0x2a5: {  	s22 =	sadd.s32 $0x80, s13;
	v57 =	vadd.s32 v0, v57;
	v11 =	vadd.s32 v43, v11;
	v34 =	vadd.s32 v0, v34;
	v6 =	vld.idx.msk [tilespmem:v6+s19+$0x0], $0xffff  }
0x2a6: {  	v1 =	vadd.s32 v43, v1;
	v19 =	vadd.s32 v34, v19;
	v9 =	vld.idx.msk [tilespmem:v9+s20+$0x0], $0xffff;
	[tilespmem:s22+$0x0] =	vst v32  }
0x2a7: {  	v62 =	vbroadcast v58, $0x0;
	v63 =	vadd.s32 v57, v24;
	v12 =	vadd.s32 v12, v19;
	[tilespmem:s4+$0xFFFFF2F8] =	vst v15;
	v25 =	vld.idx.msk [tilespmem:v25+s19+$0x0], $0xffff  }
0x2a8: {  	v19 =	vadd.s32 v36, v63;
	[tilespmem:s4+$0xFFFFF328] =	vst v21;
	v10 =	vld.idx.msk [tilespmem:v10+s19+$0x0], $0xffff  }
0x2a9: {  	v4 =	vadd.s32 v43, v4;
	v8 =	vadd.s32 v0, v62;
	v36 =	vld.idx.msk [tilespmem:v20+s19+$0x0], $0xffff  }
0x2aa: {  	v16 =	vadd.s32 v43, v16;
	v24 =	vadd.s32 v8, v35;
	v11 =	vld.idx.msk [tilespmem:v11+s20+$0x0], $0xffff  }
0x2ab: {  	v24 =	vadd.s32 v37, v24;
	v1 =	vld.idx.msk [tilespmem:v1+s20+$0x0], $0xffff  }
0x2ac: {  	v2 =	vadd.s32 v43, v2;
	v12 =	vld.idx.msk [tilespmem:v12+s15+$0x0], $0xffff  }
0x2ad: {  	v18 =	vadd.s32 v43, v18;
	v19 =	vld.idx.msk [tilespmem:v19+s15+$0x0], $0xffff  }
0x2ae: {  	v22 =	vadd.s32 v43, v22;
	v4 =	vld.idx.msk [tilespmem:v4+s20+$0x0], $0xffff;
	[tilespmem:s4+$0xFFFFF308] =	vst v17  }
0x2af: {  	v3 =	vadd.s32 v43, v3;
	v16 =	vld.idx.msk [tilespmem:v16+s19+$0x0], $0xffff  }
0x2b0: {  	v5 =	vadd.s32 v43, v5;
	v24 =	vld.idx.msk [tilespmem:v24+s15+$0x0], $0xffff  }
0x2b1: {  	v35 =	vadd.s32 v43, v33;
	v2 =	vld.idx.msk [tilespmem:v2+s20+$0x0], $0xffff;
	[tilespmem:s4+$0xFFFFF318] =	vst v12  }
0x2b2: {  	v7 =	vadd.s32 v43, v7;
	[tilespmem:s4+$0xFFFFF338] =	vst v19;
	v12 =	vld.idx.msk [tilespmem:v18+s19+$0x0], $0xffff  }
0x2b3: {  	v55 =	vadd.s32 v50, v48;
	v37 =	vld.idx.msk [tilespmem:v22+s19+$0x0], $0xffff  }
0x2b4: {  	v49 =	vadd.s32 v49, v47;
	v6 =	vadd.s32 v23, v6;
	v3 =	vld.idx.msk [tilespmem:v3+s20+$0x0], $0xffff  }
0x2b5: {  	v6 =	vadd.s32 v9, v6;
	v13 =	vadd.s32 v13, v25;
	v5 =	vld.idx.msk [tilespmem:v5+s20+$0x0], $0xffff;
	[tilespmem:s4+$0xFFFFF348] =	vst v24  }
0x2b6: {  	[tilespmem:s31+$0xFFFFFFE0] =	vst v51;
	v10 =	vadd.s32 v14, v10;
	v11 =	vadd.s32 v11, v13;
	v15 =	vld.idx.msk [tilespmem:v35+s19+$0x0], $0xffff  }
0x2b7: {  	[tilespmem:s31+$0xFFFFFFF0] =	vst v52;
	s31 =	sadd.s32 $0x80, s14;
	v1 =	vadd.s32 v1, v10;
	v58 =	vadd.s32 v60, v16;
	v7 =	vld.idx.msk [tilespmem:v7+s20+$0x0], $0xffff  }
0x2b8: {  	[tilespmem:s31+$0x0] =	vst v53;
	v62 =	vld.idx.msk [tilespmem:v55+s15+$0x0], $0xffff;
	v60 =	vadd.s32 v56, v36;
	v2 =	vadd.s32 v2, v58  }
0x2b9: {  	[tilespmem:s11+$0xFFFFFFA0] =	vst v45;
	v9 =	vld.idx.msk [tilespmem:v49+s15+$0x0], $0xffff;
	v4 =	vadd.s32 v4, v60;
	v59 =	vadd.s32 v34, v12  }
0x2ba: {  	[tilespmem:s11+$0xFFFFFFB0] =	vst v46;
	v6 =	vld.idx.msk [tilespmem:v6+s15+$0x0], $0xffff;
	v61 =	vadd.s32 v57, v37;
	v3 =	vadd.s32 v3, v59  }
0x2bb: {  	[tilespmem:s11+$0xFFFFFFC0] =	vst v44;
	v63 =	vld.idx.msk [tilespmem:v11+s15+$0x0], $0xffff;
	v5 =	vadd.s32 v5, v61;
	v8 =	vadd.s32 v8, v15  }
0x2bc: {  	[tilespmem:s11+$0xFFFFFFD0] =	vst v54;
	v1 =	vld.idx.msk [tilespmem:v1+s15+$0x0], $0xffff;
	v7 =	vadd.s32 v7, v8  }
0x2bd: {  	[tilespmem:s11+$0xFFFFFFF0] =	vst v62;
	v2 =	vld.idx.msk [tilespmem:v2+s15+$0x0], $0xffff  }
0x2be: {  	[tilespmem:s11+$0xFFFFFFE0] =	vst v9;
	v4 =	vld.idx.msk [tilespmem:v4+s15+$0x0], $0xffff  }
0x2bf: {  	s1 =	sadd.s32 $0x80, s31;
	[tilespmem:s4+$0x0] =	vst v6;
	v3 =	vld.idx.msk [tilespmem:v3+s15+$0x0], $0xffff  }
0x2c0: {  	[tilespmem:s1+$0x0] =	vst v63;
	v5 =	vld.idx.msk [tilespmem:v5+s15+$0x0], $0xffff  }
0x2c1: {  	[tilespmem:s4+$0xFFFFFFA0] =	vst v1;
	v1 =	vld.idx.msk [tilespmem:v7+s15+$0x0], $0xffff  }
0x2c2: {  	[tilespmem:s4+$0xFFFFFFB0] =	vst v2  }
0x2c3: {  	[tilespmem:s4+$0xFFFFFFD0] =	vst v4  }
0x2c4: {  	[tilespmem:s4+$0xFFFFFFC0] =	vst v3  }
0x2c5: {  	[tilespmem:s4+$0xFFFFFFE0] =	vst v5  }
0x2c6: {  	s6 =	simm.s32 $0xBF0;
	s10 =	simm.s32 $0x1280;
	[tilespmem:s4+$0xFFFFFFF0] =	vst v1;
	s4 =	smov.u32 s0  }
.LBB2_8:
0x2c7: {  	v1 =	vld [tilespmem:s10+$0x0];
	_ =	sdelay $0x4  }
0x2c8: {  	v2 =	vshra.s32 v1, $0x7  }
0x2c9: {  	v1 =	vand.u32 $0x7F, v1;
	v3 =	vadd.s32 v42, v2  }
0x2ca: {  	v4 =	vadd.s32 v42, v1;
	_ =	sdelay $0x1  }
0x2cb: {  	s6 =	sadd.s32 $0x10, s6  }
0x2cc: {  	v5 =	vmov s6  }
0x2cd: {  	v5 =	vmul.u32 $0x9, v5;
	v3 =	vld.idx.msk [tilespmem:v3+s19+$0x0], $0xffff  }
0x2ce: {  	v4 =	vld.idx.msk [tilespmem:v4+s20+$0x0], $0xffff  }
0x2cf: {  	v5 =	vbroadcast v5, $0x0;
	_ =	sdelay $0x1  }
0x2d0: {  	v5 =	vadd.s32 v0, v5  }
0x2d1: {  	v3 =	vadd.s32 v5, v3  }
0x2d2: {  	v3 =	vadd.s32 v4, v3;
	_ =	sdelay $0x4  }
0x2d3: {  	v3 =	vld.idx.msk [tilespmem:v3+s15+$0x0], $0xffff  }
0x2d4: {  	v2 =	vadd.s32 v43, v2  }
0x2d5: {  	v1 =	vadd.s32 v43, v1;
	_ =	sdelay $0x2  }
0x2d6: {  	[tilespmem:s4+$0xFFFFF358] =	vst v3  }
0x2d7: {  	v2 =	vld.idx.msk [tilespmem:v2+s19+$0x0], $0xffff  }
0x2d8: {  	v1 =	vld.idx.msk [tilespmem:v1+s20+$0x0], $0xffff;
	_ =	sdelay $0x3  }
0x2d9: {  	v2 =	vadd.s32 v5, v2  }
0x2da: {  	v1 =	vadd.s32 v1, v2;
	_ =	sdelay $0x4  }
0x2db: {  	p0 =	slt.u32 s6, $0xC40;
	v1 =	vld.idx.msk [tilespmem:v1+s15+$0x0], $0xffff  }
.Ltmp2:
0x2dc: {  	_ = 	snop;
	(pc) =	sbr.rel @p0 .LBB2_8-.Ltmp2, $2  }
0x2dd: {  	_ =	sdelay $0x2  }
0x2de: {  	s10 =	sadd.s32 $0x10, s10;
	[tilespmem:s4+$0x0] =	vst v1;
	s4 =	sadd.s32 $0x10, s4  }
0x2df: {  	v1 =	vld [tilespmem:$0x12C8];
	_ =	sdelay $0x4  }
0x2e0: {  	v2 =	vshra.s32 v1, $0x7  }
0x2e1: {  	v1 =	vand.u32 $0x7F, v1;
	v2 =	vadd.s32 v42, v2  }
0x2e2: {  	v1 =	vadd.s32 v42, v1;
	_ =	sdelay $0x3  }
0x2e3: {  	v3 =	vld.idx.msk [tilespmem:v2+s19+$0x0], $0xffff  }
0x2e4: {  	v4 =	vld.idx.msk [tilespmem:v1+s20+$0x0], $0xffff;
	_ =	sdelay $0x4  }
0x2e5: {  	v62 =	vadd.s32 $0x6E88, v0;
	v3 =	vadd.s32 v4, v3  }
0x2e6: {  	v3 =	vadd.s32 v62, v3;
	_ =	sdelay $0x4  }
0x2e7: {  	v3 =	vld.idx.msk [tilespmem:v3+s15+$0x0], $0xffff;
	_ =	sdelay $0x1  }
0x2e8: {  	v2 =	vadd.s32 $0x50, v2  }
0x2e9: {  	v1 =	vadd.s32 $0x50, v1;
	_ =	sdelay $0x1  }
0x2ea: {  	[tilespmem:s2+$0xCE98] =	vst v3;
	v3 =	vld [tilespmem:$0x1FE30];
	_ =	sdelay $0x1  }
0x2eb: {  	v2 =	vld.idx.msk [tilespmem:v2+s19+$0x0], $0xffff  }
0x2ec: {  	v1 =	vld.idx.msk [tilespmem:v1+s20+$0x0], $0xffff;
	_ =	sdelay $0x1  }
0x2ed: {  	v5 =	vld [tilespmem:$0x1FE50];
	v3 =	vsub.s32 $0x1, v3  }
0x2ee: {  	v12 =	vld [tilespmem:$0x1FE40];
	v3 =	vmul.u32 v3, v27;
	_ =	sdelay $0x1  }
0x2ef: {  	v1 =	vadd.s32 v1, v2;
	v2 =	vmul.u32 v27, v3;
	_ =	sdelay $0x1  }
0x2f0: {  	v6 =	vld [tilespmem:$0x1FE70];
	v5 =	vsub.s32 $0x1, v5;
	v2 =	vsub.s32 $0x1, v2  }
0x2f1: {  	v5 =	vmul.u32 v5, v28;
	v2 =	vmul.u32 v12, v2;
	v12 =	vld [tilespmem:$0x1FE60];
	_ =	sdelay $0x1  }
0x2f2: {  	v7 =	vsub.s32 $0x1, v39;
	v63 =	vmul.u32 v28, v5;
	v1 =	vadd.s32 v62, v1  }
0x2f3: {  	v8 =	vsub.s32 $0x1, v41;
	v7 =	vmul.u32 v7, v31  }
0x2f4: {  	v8 =	vmul.u32 v8, v29;
	v6 =	vsub.s32 $0x1, v6;
	v4 =	vsub.s32 $0x1, v63  }
0x2f5: {  	v6 =	vmul.u32 v6, v30;
	v4 =	vmul.u32 v12, v4;
	v12 =	vld [tilespmem:$0x1FE80]  }
0x2f6: {  	s3 =	sadd.s32 $0x1, s3;
	v10 =	vmul.u32 v31, v7;
	v11 =	vmul.u32 v29, v8  }
0x2f7: {  	p0 =	sne.s32 s3, $0x9;
	v9 =	vmul.u32 v30, v6;
	v1 =	vld.idx.msk [tilespmem:v1+s15+$0x0], $0xffff  }
.Ltmp3:
0x2f8: {  	v10 =	vsub.s32 $0x1, v10;
	v11 =	vsub.s32 $0x1, v11;
	(pc) =	sbr.rel @p0 .LBB2_5-.Ltmp3, $4  }
0x2f9: {  	v10 =	vmul.u32 v38, v10;
	v11 =	vmul.u32 v40, v11;
	v9 =	vsub.s32 $0x1, v9  }
0x2fa: {  	v9 =	vmul.u32 v12, v9  }
0x2fb: {  	s26 =	sadd.s32 $0x1950, s26;
	s28 =	sadd.s32 $0x5, s28;
	s29 =	sadd.s32 $0x1950, s29;
	v38 =	vsub.s32 v10, v7;
	v32 =	vsub.s32 v11, v8  }
0x2fc: {  	s30 =	sadd.s32 $0xA, s30;
	s5 =	sadd.s32 $0x1950, s5;
	s0 =	sadd.s32 $0x1950, s0;
	v16 =	vsub.s32 v2, v3;
	[tilespmem:s2+$0xDB40] =	vst v1;
	v14 =	vsub.s32 v4, v5;
	v13 =	vsub.s32 v9, v6  }
0x2fd: {  	s0 =	sadd.s32 s9, s25;
	s24 =	sadd.s32 $0x1, s24  }
0x2fe: {  	s0 =	sshrl.u32 s0, $0x3;
	p0 =	sne.s32 s24, $0x8  }
.Ltmp4:
0x2ff: {  	s0 =	sadd.s32 s8, s0;
	(pc) =	sbr.rel @p0 .LBB2_4-.Ltmp4, $4  }
0x300: {  	[hbm4b:s0+s17] =	stream.strided.scatter [tilespmem:s21], [sflag:$0x1], $0xE400, s18, s17, $0x38;
	[tilespmem:$0x1A600] =	vst v63  }
0x301: {  	_ =	swait.ge [sflag:s12], $0xE400  }
0x302: {  	[sflag:s12] =	ssyncset.done $0x0  }
0x303: {  	[sflag:s12] =	ssyncadd.s32 $0xFFFF1C00  }
0x304: {  	s1 =	rddreg [dreg:$0x7];
	v3 =	vld [tilespmem:$0x1FF80]  }
0x305: {  	s0 =	rddreg [dreg:$0x6];
	v4 =	vld [tilespmem:$0x1FF90];
	s1 =	sadd.s32 $0x1, s1  }
0x306: {  	v5 =	vld [tilespmem:$0x1FFA0];
	p0 =	sne.s32 s1, s0  }
.Ltmp5:
0x307: {  	v6 =	vld [tilespmem:$0x1FFB0];
	(pc) =	sbr.rel @p0 .LBB2_1-.Ltmp5, $4  }
0x308: {  	v7 =	vld [tilespmem:$0x1FFC0]  }
0x309: {  	v9 =	vld [tilespmem:$0x1FFD0]  }
0x30a: {  	v10 =	vld [tilespmem:$0x1FFE0]  }
0x30b: {  	v1 =	vimm.f32 $0.0e+00;
	v2 =	vimm.f32 $1.000000000e+00;
	v11 =	vld [tilespmem:$0x1FFF0]  }
0x30c: {  	_ =	sfence.sel $0x180000  }
0x30d: {  	[bflag:$0x0] =	sbarrier.arrive $0xFFFF  }
0x30e: {  	_ =	strace $0x90000047  }
0x30f: {  	s0 =	stileid.u32;
	[bflag:$0x2] =	sbarrier.arrive $0xFFFF  }
0x310: {  	p0 =	sne.s32 s0, $0x0;
	s0 =	rddreg [dreg:$0x3]  }
0x311: {  	s0 =	sadd.s32 @!p0 $0x100000, s0  }
0x312: {  	[sflag:s0] =	ssyncadd.tile.s32 @!p0 $0x1;
	_ =	shalt  }
.Lfunc_end2:
_tile_overlayer_lowered:
.L_overlay_start_2:
0x313: {  	(tag) =	ssettag $0x2  }
0x314: {  	s0 =	rddreg [dreg:$0x0];
	s2 =	stileid.u32  }
0x315: {  	s1 =	rddreg [dreg:$0x1];
	p0 =	sne.s32 s2, $0x0  }
0x316: {  	s3 =	rddreg [dreg:$0x2];
	[bflag:$0x3] =	sbarrier.arrive $0xFFFF;
	s2 =	simm.s32 @!p0 $0x1C01  }
0x317: {  	[timem:s3], [sflag:s2] =	dma.local @!p0 [hbm:s0], s1  }
0x318: {  	s0 =	simm.s32 @!p0 $0x1  }
0x319: {  	_ =	swait.ge @!p0 [sflag:s0], s1  }
0x31a: {  	s1 =	ssub.s32 @!p0 $0x0, s1;
	[sflag:s0] =	ssyncset.done @!p0 $0x0  }
0x31b: {  	[sflag:s0] =	ssyncadd.s32 @!p0 s1  }
0x31c: {  	[bflag:$0x3] =	sbarrier.arrive $0xFFFF  }
0x31d: {  	_ =	shalt  }

</sc_bundles>
